<compile_context>
chip_gen: v7x
topology: tpu7x:2x2x1
jax: 0.10.2.dev20260603
libtpu: 0.0.44.dev20260713+nightly
codegen_flags: <defaults>
</compile_context>

<pallas_src>
import functools

import jax
import jax.numpy as jnp
from jax import lax
from jax.experimental import pallas as pl
from jax.experimental.pallas import tpu as pltpu
from jax.experimental.pallas import tpu_sc as plsc

_VOCAB = 1000000
_EMB = 32
_B = 16384
_L = 200
_PAD = 0

_COLS_A = 65536
_GRID_A = -(-_VOCAB // _COLS_A)

_NC, _NS = 2, 16
_NW = _NC * _NS
_COLS_W = _B // _NW
_CH = 128
_NCH = _COLS_W // _CH
_CHW = _L * _CH


def _score_body(x_ref, w_ref, out_ref):
    x = x_ref[...]
    w = w_ref[...]
    s = jnp.sum(x * w, axis=0, keepdims=True)
    i = pl.program_id(0)
    col = lax.broadcasted_iota(jnp.int32, (1, _COLS_A), 1)
    s = jnp.where((i == 0) & (col == _PAD), 0.0, s)
    out_ref[...] = s.reshape(_COLS_A)


def _scores(table_t, w_col):
    return pl.pallas_call(
        _score_body,
        grid=(_GRID_A,),
        in_specs=[
            pl.BlockSpec((_EMB, _COLS_A), lambda i: (0, i)),
            pl.BlockSpec((_EMB, 1), lambda i: (0, 0)),
        ],
        out_specs=pl.BlockSpec((_COLS_A,), lambda i: (i,)),
        out_shape=jax.ShapeDtypeStruct((_VOCAB,), jnp.float32),
    )(table_t, w_col)


def _sc_pool_body(scores_hbm, ids_hbm, bvec_hbm, out_hbm,
                  idx0, idx1, vals0, vals1, out_v, b_v, semg, sema):
    wid = lax.axis_index("s") * _NC + lax.axis_index("c")
    base = wid * _COLS_W
    pltpu.sync_copy(bvec_hbm, b_v)
    bv = b_v[...]
    idx = [idx0, idx1]
    vals = [vals0, vals1]

    def assemble(ci, buf):
        col0 = base + ci * _CH

        def cp_issue(l, c2):
            pltpu.async_copy(ids_hbm.at[l, pl.ds(col0, _CH)],
                             buf.at[pl.ds(l * _CH, _CH)], sema)
            return c2

        def cp_drain(l, c2):
            pltpu.make_async_copy(ids_hbm.at[l, pl.ds(col0, _CH)],
                                  buf.at[pl.ds(l * _CH, _CH)], sema).wait()
            return c2

        lax.fori_loop(0, _L, cp_issue, 0)
        lax.fori_loop(0, _L, cp_drain, 0)

    assemble(0, idx[0])
    pltpu.async_copy(scores_hbm.at[idx[0]], vals[0], semg)
    assemble(1, idx[1])
    for ci in range(_NCH):
        cur = ci % 2
        pltpu.make_async_copy(scores_hbm.at[idx[cur]], vals[cur], semg).wait()
        if ci + 1 < _NCH:
            pltpu.async_copy(scores_hbm.at[idx[1 - cur]], vals[1 - cur], semg)
        if ci + 2 < _NCH:
            assemble(ci + 2, idx[cur])

        def red(l, accs):
            base_l = l * _CH
            return tuple(a + vals[cur][pl.ds(base_l + k * 16, 16)]
                         for k, a in enumerate(accs))

        zero = jnp.zeros((16,), jnp.float32)
        accs = lax.fori_loop(0, _L, red, (zero,) * (_CH // 16))
        for k, acc in enumerate(accs):
            z = acc + bv
            y = 1.0 / (1.0 + jnp.exp(-z))
            out_v[pl.ds(ci * _CH + k * 16, 16)] = y

    pltpu.sync_copy(out_v, out_hbm.at[pl.ds(base, _COLS_W)])


def _sc_pool(scores, ids_t, bvec):
    mesh = plsc.VectorSubcoreMesh(core_axis_name="c", subcore_axis_name="s")
    f = pl.kernel(
        _sc_pool_body,
        out_type=jax.ShapeDtypeStruct((_B,), jnp.float32),
        mesh=mesh,
        scratch_types=[
            pltpu.VMEM((_CHW,), jnp.int32),
            pltpu.VMEM((_CHW,), jnp.int32),
            pltpu.VMEM((_CHW,), jnp.float32),
            pltpu.VMEM((_CHW,), jnp.float32),
            pltpu.VMEM((_COLS_W,), jnp.float32),
            pltpu.VMEM((16,), jnp.float32),
            pltpu.SemaphoreType.DMA,
            pltpu.SemaphoreType.DMA,
        ],
    )
    return f(scores, ids_t, bvec)


def kernel(ids, table, W, b):
    table_t = table.astype(jnp.float32).T
    ids_t = ids.astype(jnp.int32).T
    w_col = W.astype(jnp.float32).reshape(_EMB, 1) * (1.0 / _L)
    scores = _scores(table_t, w_col)
    bvec = jnp.broadcast_to(b.astype(jnp.float32), (16,))
    out_flat = _sc_pool(scores, ids_t, bvec)
    return out_flat.reshape(_B, 1)

# --- scband reference (transcript-rebuilt; emitter-appended) ---
"""Pipeline reference for scband-nbow-50431505990098 (READ-ONLY COPY).

The authoritative reference and input builder live on the scoring server;
editing this copy changes nothing except your own understanding.
"""

import jax, jax.numpy as jnp
import numpy as np

VOCAB = 1000000
EMB = 32
OUT = 1
PAD = 0
B = 16384
L = 200


def setup_inputs(seed: int = 0) -> dict:
    key = jax.random.key(seed)
    k_ids, k_tab, k_w, k_b = jax.random.split(key, 4)
    ids = jax.random.randint(k_ids, (B, L), 0, VOCAB, dtype=jnp.int64 if jax.config.jax_enable_x64 else jnp.int32)
    table = jax.random.normal(k_tab, (VOCAB, EMB), dtype=jnp.float32) * 0.02
    table = table.at[PAD].set(0.0)
    W = jax.random.normal(k_w, (OUT, EMB), dtype=jnp.float32) * (1.0 / np.sqrt(EMB))
    b = jnp.zeros((OUT,), dtype=jnp.float32)
    return {"ids": ids, "table": table, "W": W, "b": b}


def reference(ids, table, W, b):
    # nn.Embedding with padding_idx: row PAD is forced to zero
    table_eff = table.at[PAD].set(0.0)
    embedded = jnp.take(table_eff, ids, axis=0)          # [B, L, EMB]
    pooled = jnp.mean(embedded, axis=1)                  # [B, EMB]
    prediction = pooled @ W.T + b                        # [B, OUT]
    return jax.nn.sigmoid(prediction)

if __name__ == "__main__":
    import jax
    _d = setup_inputs()
    print(jax.jit(kernel)(*tuple(_d.values())))

</pallas_src>

<mosaic_0001>
#map = affine_map<(d0, d1) -> (0)>
#map1 = affine_map<(d0, d1) -> (0, 0)>
module attributes {stable_mosaic.version = 14 : i64} {
  func.func @_sc_pool_body(%arg0: i32, %arg1: i32, %arg2: memref<1000000xf32, #tpu.memory_space<hbm>>, %arg3: memref<200x16384xi32, #tpu.memory_space<hbm>>, %arg4: memref<16xf32, #tpu.memory_space<hbm>>, %arg5: memref<16384xf32, #tpu.memory_space<hbm>>, %arg6: memref<25600xi32, #tpu.memory_space<vmem>>, %arg7: memref<25600xi32, #tpu.memory_space<vmem>>, %arg8: memref<25600xf32, #tpu.memory_space<vmem>>, %arg9: memref<25600xf32, #tpu.memory_space<vmem>>, %arg10: memref<512xf32, #tpu.memory_space<vmem>>, %arg11: memref<16xf32, #tpu.memory_space<vmem>>, %arg12: memref<!tpu.dma_semaphore, #tpu.memory_space<semaphore_mem>>, %arg13: memref<!tpu.dma_semaphore, #tpu.memory_space<semaphore_mem>>) attributes {dimension_semantics = [#tpu.dimension_semantics<core_parallel>, #tpu.dimension_semantics<subcore_parallel>], iteration_bounds = array<i64: 2, 16>, scalar_prefetch = 0 : i64, scratch_operands = 8 : i64, tpu.core_type = #tpu.core_type<sc_vector_subcore>, window_params = [{transform_indices = #map}, {transform_indices = #map1}, {transform_indices = #map}, {transform_indices = #map}]} {
    %mul3A = arith.constant 2 : i32
    %mul3A_0 = arith.muli %arg1, %mul3A : i32
    %add3A = arith.addi %mul3A_0, %arg0 : i32
    %mul3A_1 = arith.constant 512 : i32
    %mul3A_2 = arith.muli %add3A, %mul3A_1 : i32
    "tpu.region"() ({
      %run_scoped3A = tpu.sem_alloc : memref<!tpu.dma_semaphore, #tpu.memory_space<semaphore_mem>>
      tpu.enqueue_dma source(%arg4 : memref<16xf32, #tpu.memory_space<hbm>>) target(%arg11 : memref<16xf32, #tpu.memory_space<vmem>>) target_semaphore(%run_scoped3A : memref<!tpu.dma_semaphore, #tpu.memory_space<semaphore_mem>>)
      tpu.wait_dma2 semaphore(%run_scoped3A : memref<!tpu.dma_semaphore, #tpu.memory_space<semaphore_mem>>) src(%arg4 : memref<16xf32, #tpu.memory_space<hbm>>) dst(%arg11 : memref<16xf32, #tpu.memory_space<vmem>>)
      tpu.yield
    }) : () -> ()
    %get3A = arith.constant 0 : index
    %get3A_3 = tpu.vector_load %arg11[%get3A] {strides = array<i32>} : memref<16xf32, #tpu.memory_space<vmem>>, vector<16xf32>,
    %get3A_4 = vector.shape_cast %get3A_3 : vector<16xf32> to vector<16xf32>
    %add3A_5 = arith.constant 0 : i32
    %add3A_6 = arith.addi %mul3A_2, %add3A_5 : i32
    %scan3A = arith.constant 0 : i32
    %scan3A_7 = arith.constant 0 : i32
    %scan3A_8 = arith.constant 200 : i32
    %scan3A_9 = arith.addi %scan3A_7, %scan3A_8 : i32
    %scan3A_10 = arith.constant 1 : i32
    scf.for %scan3A_581 = %scan3A_7 to %scan3A_9 step %scan3A_10  : i32 {
      %mul3A_582 = arith.constant 128 : i32
      %mul3A_583 = arith.muli %scan3A_581, %mul3A_582 : i32
      %dma_start3A_584 = tpu.memref_slice %arg6[%mul3A_583] : memref<25600xi32, #tpu.memory_space<vmem>> -> memref<128xi32, #tpu.memory_space<vmem>>
      %dma_start3A_585 = tpu.memref_slice %arg3[%scan3A_581, %add3A_6] : memref<200x16384xi32, #tpu.memory_space<hbm>> -> memref<1x128xi32, #tpu.memory_space<hbm>>
      %dma_start3A_586 = tpu.memref_squeeze %dma_start3A_585 : memref<1x128xi32, #tpu.memory_space<hbm>> -> memref<128xi32, #tpu.memory_space<hbm>>
      %dma_start3A_587 = tpu.memref_slice %arg6[%mul3A_583] : memref<25600xi32, #tpu.memory_space<vmem>> -> memref<128xi32, #tpu.memory_space<vmem>>
      %dma_start3A_588 = tpu.memref_slice %arg3[%scan3A_581, %add3A_6] : memref<200x16384xi32, #tpu.memory_space<hbm>> -> memref<1x128xi32, #tpu.memory_space<hbm>>
      %dma_start3A_589 = tpu.memref_squeeze %dma_start3A_588 : memref<1x128xi32, #tpu.memory_space<hbm>> -> memref<128xi32, #tpu.memory_space<hbm>>
      tpu.enqueue_dma source(%dma_start3A_589 : memref<128xi32, #tpu.memory_space<hbm>>) target(%dma_start3A_587 : memref<128xi32, #tpu.memory_space<vmem>>) target_semaphore(%arg13 : memref<!tpu.dma_semaphore, #tpu.memory_space<semaphore_mem>>)
    }
    %scan3A_11 = arith.constant 200 : i32
    %scan3A_12 = arith.constant 0 : i32
    %scan3A_13 = arith.constant 0 : i32
    %scan3A_14 = arith.constant 200 : i32
    %scan3A_15 = arith.addi %scan3A_13, %scan3A_14 : i32
    %scan3A_16 = arith.constant 1 : i32
    scf.for %scan3A_581 = %scan3A_13 to %scan3A_15 step %scan3A_16  : i32 {
      %mul3A_582 = arith.constant 128 : i32
      %mul3A_583 = arith.muli %scan3A_581, %mul3A_582 : i32
      %dma_wait3A_584 = tpu.memref_slice %arg6[%mul3A_583] : memref<25600xi32, #tpu.memory_space<vmem>> -> memref<128xi32, #tpu.memory_space<vmem>>
      %dma_wait3A_585 = tpu.memref_slice %arg3[%scan3A_581, %add3A_6] : memref<200x16384xi32, #tpu.memory_space<hbm>> -> memref<1x128xi32, #tpu.memory_space<hbm>>
      %dma_wait3A_586 = tpu.memref_squeeze %dma_wait3A_585 : memref<1x128xi32, #tpu.memory_space<hbm>> -> memref<128xi32, #tpu.memory_space<hbm>>
      %dma_wait3A_587 = tpu.memref_slice %arg6[%mul3A_583] : memref<25600xi32, #tpu.memory_space<vmem>> -> memref<128xi32, #tpu.memory_space<vmem>>
      %dma_wait3A_588 = tpu.memref_slice %arg3[%scan3A_581, %add3A_6] : memref<200x16384xi32, #tpu.memory_space<hbm>> -> memref<1x128xi32, #tpu.memory_space<hbm>>
      %dma_wait3A_589 = tpu.memref_squeeze %dma_wait3A_588 : memref<1x128xi32, #tpu.memory_space<hbm>> -> memref<128xi32, #tpu.memory_space<hbm>>
      tpu.wait_dma2 semaphore(%arg13 : memref<!tpu.dma_semaphore, #tpu.memory_space<semaphore_mem>>) src(%dma_wait3A_589 : memref<128xi32, #tpu.memory_space<hbm>>) dst(%dma_wait3A_587 : memref<128xi32, #tpu.memory_space<vmem>>)
    }
    %scan3A_17 = arith.constant 200 : i32
    %dma_start3A = arith.constant 0 : i32
    %dma_start3A_18 = tpu.memref_slice %arg2[%dma_start3A] : memref<1000000xf32, #tpu.memory_space<hbm>> -> memref<1000000xf32, #tpu.memory_space<hbm>>
    tpu.enqueue_indirect_dma source(%dma_start3A_18 : memref<1000000xf32, #tpu.memory_space<hbm>>) target(%arg8 : memref<25600xf32, #tpu.memory_space<vmem>>) offsets(%arg6 : memref<25600xi32, #tpu.memory_space<vmem>>) semaphore(%arg12 : memref<!tpu.dma_semaphore, #tpu.memory_space<semaphore_mem>>)
    %add3A_19 = arith.constant 128 : i32
    %add3A_20 = arith.addi %mul3A_2, %add3A_19 : i32
    %scan3A_21 = arith.constant 0 : i32
    %scan3A_22 = arith.constant 0 : i32
    %scan3A_23 = arith.constant 200 : i32
    %scan3A_24 = arith.addi %scan3A_22, %scan3A_23 : i32
    %scan3A_25 = arith.constant 1 : i32
    scf.for %scan3A_581 = %scan3A_22 to %scan3A_24 step %scan3A_25  : i32 {
      %mul3A_582 = arith.constant 128 : i32
      %mul3A_583 = arith.muli %scan3A_581, %mul3A_582 : i32
      %dma_start3A_584 = tpu.memref_slice %arg7[%mul3A_583] : memref<25600xi32, #tpu.memory_space<vmem>> -> memref<128xi32, #tpu.memory_space<vmem>>
      %dma_start3A_585 = tpu.memref_slice %arg3[%scan3A_581, %add3A_20] : memref<200x16384xi32, #tpu.memory_space<hbm>> -> memref<1x128xi32, #tpu.memory_space<hbm>>
      %dma_start3A_586 = tpu.memref_squeeze %dma_start3A_585 : memref<1x128xi32, #tpu.memory_space<hbm>> -> memref<128xi32, #tpu.memory_space<hbm>>
      %dma_start3A_587 = tpu.memref_slice %arg7[%mul3A_583] : memref<25600xi32, #tpu.memory_space<vmem>> -> memref<128xi32, #tpu.memory_space<vmem>>
      %dma_start3A_588 = tpu.memref_slice %arg3[%scan3A_581, %add3A_20] : memref<200x16384xi32, #tpu.memory_space<hbm>> -> memref<1x128xi32, #tpu.memory_space<hbm>>
      %dma_start3A_589 = tpu.memref_squeeze %dma_start3A_588 : memref<1x128xi32, #tpu.memory_space<hbm>> -> memref<128xi32, #tpu.memory_space<hbm>>
      tpu.enqueue_dma source(%dma_start3A_589 : memref<128xi32, #tpu.memory_space<hbm>>) target(%dma_start3A_587 : memref<128xi32, #tpu.memory_space<vmem>>) target_semaphore(%arg13 : memref<!tpu.dma_semaphore, #tpu.memory_space<semaphore_mem>>)
    }
    %scan3A_26 = arith.constant 200 : i32
    %scan3A_27 = arith.constant 0 : i32
    %scan3A_28 = arith.constant 0 : i32
    %scan3A_29 = arith.constant 200 : i32
    %scan3A_30 = arith.addi %scan3A_28, %scan3A_29 : i32
    %scan3A_31 = arith.constant 1 : i32
    scf.for %scan3A_581 = %scan3A_28 to %scan3A_30 step %scan3A_31  : i32 {
      %mul3A_582 = arith.constant 128 : i32
      %mul3A_583 = arith.muli %scan3A_581, %mul3A_582 : i32
      %dma_wait3A_584 = tpu.memref_slice %arg7[%mul3A_583] : memref<25600xi32, #tpu.memory_space<vmem>> -> memref<128xi32, #tpu.memory_space<vmem>>
      %dma_wait3A_585 = tpu.memref_slice %arg3[%scan3A_581, %add3A_20] : memref<200x16384xi32, #tpu.memory_space<hbm>> -> memref<1x128xi32, #tpu.memory_space<hbm>>
      %dma_wait3A_586 = tpu.memref_squeeze %dma_wait3A_585 : memref<1x128xi32, #tpu.memory_space<hbm>> -> memref<128xi32, #tpu.memory_space<hbm>>
      %dma_wait3A_587 = tpu.memref_slice %arg7[%mul3A_583] : memref<25600xi32, #tpu.memory_space<vmem>> -> memref<128xi32, #tpu.memory_space<vmem>>
      %dma_wait3A_588 = tpu.memref_slice %arg3[%scan3A_581, %add3A_20] : memref<200x16384xi32, #tpu.memory_space<hbm>> -> memref<1x128xi32, #tpu.memory_space<hbm>>
      %dma_wait3A_589 = tpu.memref_squeeze %dma_wait3A_588 : memref<1x128xi32, #tpu.memory_space<hbm>> -> memref<128xi32, #tpu.memory_space<hbm>>
      tpu.wait_dma2 semaphore(%arg13 : memref<!tpu.dma_semaphore, #tpu.memory_space<semaphore_mem>>) src(%dma_wait3A_589 : memref<128xi32, #tpu.memory_space<hbm>>) dst(%dma_wait3A_587 : memref<128xi32, #tpu.memory_space<vmem>>)
    }
    %scan3A_32 = arith.constant 200 : i32
    %dma_wait3A = arith.constant 0 : i32
    %dma_wait3A_33 = tpu.memref_slice %arg2[%dma_wait3A] : memref<1000000xf32, #tpu.memory_space<hbm>> -> memref<1000000xf32, #tpu.memory_space<hbm>>
    tpu.wait_indirect_dma semaphore(%arg12 : memref<!tpu.dma_semaphore, #tpu.memory_space<semaphore_mem>>) src(%dma_wait3A_33 : memref<1000000xf32, #tpu.memory_space<hbm>>) dst(%arg8 : memref<25600xf32, #tpu.memory_space<vmem>>)
    %dma_start3A_34 = arith.constant 0 : i32
    %dma_start3A_35 = tpu.memref_slice %arg2[%dma_start3A_34] : memref<1000000xf32, #tpu.memory_space<hbm>> -> memref<1000000xf32, #tpu.memory_space<hbm>>
    tpu.enqueue_indirect_dma source(%dma_start3A_35 : memref<1000000xf32, #tpu.memory_space<hbm>>) target(%arg9 : memref<25600xf32, #tpu.memory_space<vmem>>) offsets(%arg7 : memref<25600xi32, #tpu.memory_space<vmem>>) semaphore(%arg12 : memref<!tpu.dma_semaphore, #tpu.memory_space<semaphore_mem>>)
    %add3A_36 = arith.constant 256 : i32
    %add3A_37 = arith.addi %mul3A_2, %add3A_36 : i32
    %scan3A_38 = arith.constant 0 : i32
    %scan3A_39 = arith.constant 0 : i32
    %scan3A_40 = arith.constant 200 : i32
    %scan3A_41 = arith.addi %scan3A_39, %scan3A_40 : i32
    %scan3A_42 = arith.constant 1 : i32
    scf.for %scan3A_581 = %scan3A_39 to %scan3A_41 step %scan3A_42  : i32 {
      %mul3A_582 = arith.constant 128 : i32
      %mul3A_583 = arith.muli %scan3A_581, %mul3A_582 : i32
      %dma_start3A_584 = tpu.memref_slice %arg6[%mul3A_583] : memref<25600xi32, #tpu.memory_space<vmem>> -> memref<128xi32, #tpu.memory_space<vmem>>
      %dma_start3A_585 = tpu.memref_slice %arg3[%scan3A_581, %add3A_37] : memref<200x16384xi32, #tpu.memory_space<hbm>> -> memref<1x128xi32, #tpu.memory_space<hbm>>
      %dma_start3A_586 = tpu.memref_squeeze %dma_start3A_585 : memref<1x128xi32, #tpu.memory_space<hbm>> -> memref<128xi32, #tpu.memory_space<hbm>>
      %dma_start3A_587 = tpu.memref_slice %arg6[%mul3A_583] : memref<25600xi32, #tpu.memory_space<vmem>> -> memref<128xi32, #tpu.memory_space<vmem>>
      %dma_start3A_588 = tpu.memref_slice %arg3[%scan3A_581, %add3A_37] : memref<200x16384xi32, #tpu.memory_space<hbm>> -> memref<1x128xi32, #tpu.memory_space<hbm>>
      %dma_start3A_589 = tpu.memref_squeeze %dma_start3A_588 : memref<1x128xi32, #tpu.memory_space<hbm>> -> memref<128xi32, #tpu.memory_space<hbm>>
      tpu.enqueue_dma source(%dma_start3A_589 : memref<128xi32, #tpu.memory_space<hbm>>) target(%dma_start3A_587 : memref<128xi32, #tpu.memory_space<vmem>>) target_semaphore(%arg13 : memref<!tpu.dma_semaphore, #tpu.memory_space<semaphore_mem>>)
    }
    %scan3A_43 = arith.constant 200 : i32
    %scan3A_44 = arith.constant 0 : i32
    %scan3A_45 = arith.constant 0 : i32
    %scan3A_46 = arith.constant 200 : i32
    %scan3A_47 = arith.addi %scan3A_45, %scan3A_46 : i32
    %scan3A_48 = arith.constant 1 : i32
    scf.for %scan3A_581 = %scan3A_45 to %scan3A_47 step %scan3A_48  : i32 {
      %mul3A_582 = arith.constant 128 : i32
      %mul3A_583 = arith.muli %scan3A_581, %mul3A_582 : i32
      %dma_wait3A_584 = tpu.memref_slice %arg6[%mul3A_583] : memref<25600xi32, #tpu.memory_space<vmem>> -> memref<128xi32, #tpu.memory_space<vmem>>
      %dma_wait3A_585 = tpu.memref_slice %arg3[%scan3A_581, %add3A_37] : memref<200x16384xi32, #tpu.memory_space<hbm>> -> memref<1x128xi32, #tpu.memory_space<hbm>>
      %dma_wait3A_586 = tpu.memref_squeeze %dma_wait3A_585 : memref<1x128xi32, #tpu.memory_space<hbm>> -> memref<128xi32, #tpu.memory_space<hbm>>
      %dma_wait3A_587 = tpu.memref_slice %arg6[%mul3A_583] : memref<25600xi32, #tpu.memory_space<vmem>> -> memref<128xi32, #tpu.memory_space<vmem>>
      %dma_wait3A_588 = tpu.memref_slice %arg3[%scan3A_581, %add3A_37] : memref<200x16384xi32, #tpu.memory_space<hbm>> -> memref<1x128xi32, #tpu.memory_space<hbm>>
      %dma_wait3A_589 = tpu.memref_squeeze %dma_wait3A_588 : memref<1x128xi32, #tpu.memory_space<hbm>> -> memref<128xi32, #tpu.memory_space<hbm>>
      tpu.wait_dma2 semaphore(%arg13 : memref<!tpu.dma_semaphore, #tpu.memory_space<semaphore_mem>>) src(%dma_wait3A_589 : memref<128xi32, #tpu.memory_space<hbm>>) dst(%dma_wait3A_587 : memref<128xi32, #tpu.memory_space<vmem>>)
    }
    %scan3A_49 = arith.constant 200 : i32
    %broadcast_in_dim3A = arith.constant 0.000000e+00 : f32
    %broadcast_in_dim3A_50 = vector.broadcast %broadcast_in_dim3A : f32 to vector<16xf32>
    %scan3A_51 = arith.constant 0 : i32
    %scan3A_52 = arith.constant 200 : i32
    %scan3A_53 = arith.addi %scan3A_51, %scan3A_52 : i32
    %scan3A_54 = arith.constant 1 : i32
    %scan3A_55:8 = scf.for %scan3A_581 = %scan3A_51 to %scan3A_53 step %scan3A_54 iter_args(%scan3A_582 = %broadcast_in_dim3A_50, %scan3A_583 = %broadcast_in_dim3A_50, %scan3A_584 = %broadcast_in_dim3A_50, %scan3A_585 = %broadcast_in_dim3A_50, %scan3A_586 = %broadcast_in_dim3A_50, %scan3A_587 = %broadcast_in_dim3A_50, %scan3A_588 = %broadcast_in_dim3A_50, %scan3A_589 = %broadcast_in_dim3A_50) -> (vector<16xf32>, vector<16xf32>, vector<16xf32>, vector<16xf32>, vector<16xf32>, vector<16xf32>, vector<16xf32>, vector<16xf32>)  : i32 {
      %mul3A_590 = arith.constant 128 : i32
      %mul3A_591 = arith.muli %scan3A_581, %mul3A_590 : i32
      %add3A_592 = arith.constant 0 : i32
      %add3A_593 = arith.addi %mul3A_591, %add3A_592 : i32
      %get3A_594 = arith.index_cast %add3A_593 : i32 to index
      %get3A_595 = tpu.vector_load %arg8[%get3A_594] {strides = array<i32>} : memref<25600xf32, #tpu.memory_space<vmem>>, vector<16xf32>,
      %get3A_596 = vector.shape_cast %get3A_595 : vector<16xf32> to vector<16xf32>
      %add3A_597 = arith.addf %scan3A_582, %get3A_596 : vector<16xf32>
      %add3A_598 = arith.constant 16 : i32
      %add3A_599 = arith.addi %mul3A_591, %add3A_598 : i32
      %get3A_600 = arith.index_cast %add3A_599 : i32 to index
      %get3A_601 = tpu.vector_load %arg8[%get3A_600] {strides = array<i32>} : memref<25600xf32, #tpu.memory_space<vmem>>, vector<16xf32>,
      %get3A_602 = vector.shape_cast %get3A_601 : vector<16xf32> to vector<16xf32>
      %add3A_603 = arith.addf %scan3A_583, %get3A_602 : vector<16xf32>
      %add3A_604 = arith.constant 32 : i32
      %add3A_605 = arith.addi %mul3A_591, %add3A_604 : i32
      %get3A_606 = arith.index_cast %add3A_605 : i32 to index
      %get3A_607 = tpu.vector_load %arg8[%get3A_606] {strides = array<i32>} : memref<25600xf32, #tpu.memory_space<vmem>>, vector<16xf32>,
      %get3A_608 = vector.shape_cast %get3A_607 : vector<16xf32> to vector<16xf32>
      %add3A_609 = arith.addf %scan3A_584, %get3A_608 : vector<16xf32>
      %add3A_610 = arith.constant 48 : i32
      %add3A_611 = arith.addi %mul3A_591, %add3A_610 : i32
      %get3A_612 = arith.index_cast %add3A_611 : i32 to index
      %get3A_613 = tpu.vector_load %arg8[%get3A_612] {strides = array<i32>} : memref<25600xf32, #tpu.memory_space<vmem>>, vector<16xf32>,
      %get3A_614 = vector.shape_cast %get3A_613 : vector<16xf32> to vector<16xf32>
      %add3A_615 = arith.addf %scan3A_585, %get3A_614 : vector<16xf32>
      %add3A_616 = arith.constant 64 : i32
      %add3A_617 = arith.addi %mul3A_591, %add3A_616 : i32
      %get3A_618 = arith.index_cast %add3A_617 : i32 to index
      %get3A_619 = tpu.vector_load %arg8[%get3A_618] {strides = array<i32>} : memref<25600xf32, #tpu.memory_space<vmem>>, vector<16xf32>,
      %get3A_620 = vector.shape_cast %get3A_619 : vector<16xf32> to vector<16xf32>
      %add3A_621 = arith.addf %scan3A_586, %get3A_620 : vector<16xf32>
      %add3A_622 = arith.constant 80 : i32
      %add3A_623 = arith.addi %mul3A_591, %add3A_622 : i32
      %get3A_624 = arith.index_cast %add3A_623 : i32 to index
      %get3A_625 = tpu.vector_load %arg8[%get3A_624] {strides = array<i32>} : memref<25600xf32, #tpu.memory_space<vmem>>, vector<16xf32>,
      %get3A_626 = vector.shape_cast %get3A_625 : vector<16xf32> to vector<16xf32>
      %add3A_627 = arith.addf %scan3A_587, %get3A_626 : vector<16xf32>
      %add3A_628 = arith.constant 96 : i32
      %add3A_629 = arith.addi %mul3A_591, %add3A_628 : i32
      %get3A_630 = arith.index_cast %add3A_629 : i32 to index
      %get3A_631 = tpu.vector_load %arg8[%get3A_630] {strides = array<i32>} : memref<25600xf32, #tpu.memory_space<vmem>>, vector<16xf32>,
      %get3A_632 = vector.shape_cast %get3A_631 : vector<16xf32> to vector<16xf32>
      %add3A_633 = arith.addf %scan3A_588, %get3A_632 : vector<16xf32>
      %add3A_634 = arith.constant 112 : i32
      %add3A_635 = arith.addi %mul3A_591, %add3A_634 : i32
      %get3A_636 = arith.index_cast %add3A_635 : i32 to index
      %get3A_637 = tpu.vector_load %arg8[%get3A_636] {strides = array<i32>} : memref<25600xf32, #tpu.memory_space<vmem>>, vector<16xf32>,
      %get3A_638 = vector.shape_cast %get3A_637 : vector<16xf32> to vector<16xf32>
      %add3A_639 = arith.addf %scan3A_589, %get3A_638 : vector<16xf32>
      scf.yield %add3A_597, %add3A_603, %add3A_609, %add3A_615, %add3A_621, %add3A_627, %add3A_633, %add3A_639 : vector<16xf32>, vector<16xf32>, vector<16xf32>, vector<16xf32>, vector<16xf32>, vector<16xf32>, vector<16xf32>, vector<16xf32>
    }
    %scan3A_56 = arith.constant 200 : i32
    %add3A_57 = arith.addf %scan3A_55#0, %get3A_4 : vector<16xf32>
    %neg3A = arith.constant 0.000000e+00 : f32
    %neg3A_58 = vector.broadcast %neg3A : f32 to vector<16xf32>
    %neg3A_59 = arith.subf %neg3A_58, %add3A_57 : vector<16xf32>
    %exp3A = math.exp %neg3A_59 : vector<16xf32>
    %add3A_60 = arith.constant 1.000000e+00 : f32
    %add3A_61 = vector.broadcast %add3A_60 : f32 to vector<16xf32>
    %add3A_62 = arith.addf %add3A_61, %exp3A : vector<16xf32>
    %div3A = arith.constant 1.000000e+00 : f32
    %div3A_63 = vector.broadcast %div3A : f32 to vector<16xf32>
    %div3A_64 = arith.divf %div3A_63, %add3A_62 : vector<16xf32>
    %swap3A = arith.constant 0 : index
    %swap3A_65 = tpu.vector_load %arg10[%swap3A] {strides = array<i32>} : memref<512xf32, #tpu.memory_space<vmem>>, vector<16xf32>,
    %swap3A_66 = vector.shape_cast %swap3A_65 : vector<16xf32> to vector<16xf32>
    %swap3A_67 = vector.shape_cast %div3A_64 : vector<16xf32> to vector<16xf32>
    tpu.vector_store %arg10[%swap3A], %swap3A_67 {strides = array<i32>} : memref<512xf32, #tpu.memory_space<vmem>>, vector<16xf32>,
    %add3A_68 = arith.addf %scan3A_55#1, %get3A_4 : vector<16xf32>
    %neg3A_69 = arith.constant 0.000000e+00 : f32
    %neg3A_70 = vector.broadcast %neg3A_69 : f32 to vector<16xf32>
    %neg3A_71 = arith.subf %neg3A_70, %add3A_68 : vector<16xf32>
    %exp3A_72 = math.exp %neg3A_71 : vector<16xf32>
    %add3A_73 = arith.constant 1.000000e+00 : f32
    %add3A_74 = vector.broadcast %add3A_73 : f32 to vector<16xf32>
    %add3A_75 = arith.addf %add3A_74, %exp3A_72 : vector<16xf32>
    %div3A_76 = arith.constant 1.000000e+00 : f32
    %div3A_77 = vector.broadcast %div3A_76 : f32 to vector<16xf32>
    %div3A_78 = arith.divf %div3A_77, %add3A_75 : vector<16xf32>
    %swap3A_79 = arith.constant 16 : index
    %swap3A_80 = tpu.vector_load %arg10[%swap3A_79] {strides = array<i32>} : memref<512xf32, #tpu.memory_space<vmem>>, vector<16xf32>,
    %swap3A_81 = vector.shape_cast %swap3A_80 : vector<16xf32> to vector<16xf32>
    %swap3A_82 = vector.shape_cast %div3A_78 : vector<16xf32> to vector<16xf32>
    tpu.vector_store %arg10[%swap3A_79], %swap3A_82 {strides = array<i32>} : memref<512xf32, #tpu.memory_space<vmem>>, vector<16xf32>,
    %add3A_83 = arith.addf %scan3A_55#2, %get3A_4 : vector<16xf32>
    %neg3A_84 = arith.constant 0.000000e+00 : f32
    %neg3A_85 = vector.broadcast %neg3A_84 : f32 to vector<16xf32>
    %neg3A_86 = arith.subf %neg3A_85, %add3A_83 : vector<16xf32>
    %exp3A_87 = math.exp %neg3A_86 : vector<16xf32>
    %add3A_88 = arith.constant 1.000000e+00 : f32
    %add3A_89 = vector.broadcast %add3A_88 : f32 to vector<16xf32>
    %add3A_90 = arith.addf %add3A_89, %exp3A_87 : vector<16xf32>
    %div3A_91 = arith.constant 1.000000e+00 : f32
    %div3A_92 = vector.broadcast %div3A_91 : f32 to vector<16xf32>
    %div3A_93 = arith.divf %div3A_92, %add3A_90 : vector<16xf32>
    %swap3A_94 = arith.constant 32 : index
    %swap3A_95 = tpu.vector_load %arg10[%swap3A_94] {strides = array<i32>} : memref<512xf32, #tpu.memory_space<vmem>>, vector<16xf32>,
    %swap3A_96 = vector.shape_cast %swap3A_95 : vector<16xf32> to vector<16xf32>
    %swap3A_97 = vector.shape_cast %div3A_93 : vector<16xf32> to vector<16xf32>
    tpu.vector_store %arg10[%swap3A_94], %swap3A_97 {strides = array<i32>} : memref<512xf32, #tpu.memory_space<vmem>>, vector<16xf32>,
    %add3A_98 = arith.addf %scan3A_55#3, %get3A_4 : vector<16xf32>
    %neg3A_99 = arith.constant 0.000000e+00 : f32
    %neg3A_100 = vector.broadcast %neg3A_99 : f32 to vector<16xf32>
    %neg3A_101 = arith.subf %neg3A_100, %add3A_98 : vector<16xf32>
    %exp3A_102 = math.exp %neg3A_101 : vector<16xf32>
    %add3A_103 = arith.constant 1.000000e+00 : f32
    %add3A_104 = vector.broadcast %add3A_103 : f32 to vector<16xf32>
    %add3A_105 = arith.addf %add3A_104, %exp3A_102 : vector<16xf32>
    %div3A_106 = arith.constant 1.000000e+00 : f32
    %div3A_107 = vector.broadcast %div3A_106 : f32 to vector<16xf32>
    %div3A_108 = arith.divf %div3A_107, %add3A_105 : vector<16xf32>
    %swap3A_109 = arith.constant 48 : index
    %swap3A_110 = tpu.vector_load %arg10[%swap3A_109] {strides = array<i32>} : memref<512xf32, #tpu.memory_space<vmem>>, vector<16xf32>,
    %swap3A_111 = vector.shape_cast %swap3A_110 : vector<16xf32> to vector<16xf32>
    %swap3A_112 = vector.shape_cast %div3A_108 : vector<16xf32> to vector<16xf32>
    tpu.vector_store %arg10[%swap3A_109], %swap3A_112 {strides = array<i32>} : memref<512xf32, #tpu.memory_space<vmem>>, vector<16xf32>,
    %add3A_113 = arith.addf %scan3A_55#4, %get3A_4 : vector<16xf32>
    %neg3A_114 = arith.constant 0.000000e+00 : f32
    %neg3A_115 = vector.broadcast %neg3A_114 : f32 to vector<16xf32>
    %neg3A_116 = arith.subf %neg3A_115, %add3A_113 : vector<16xf32>
    %exp3A_117 = math.exp %neg3A_116 : vector<16xf32>
    %add3A_118 = arith.constant 1.000000e+00 : f32
    %add3A_119 = vector.broadcast %add3A_118 : f32 to vector<16xf32>
    %add3A_120 = arith.addf %add3A_119, %exp3A_117 : vector<16xf32>
    %div3A_121 = arith.constant 1.000000e+00 : f32
    %div3A_122 = vector.broadcast %div3A_121 : f32 to vector<16xf32>
    %div3A_123 = arith.divf %div3A_122, %add3A_120 : vector<16xf32>
    %swap3A_124 = arith.constant 64 : index
    %swap3A_125 = tpu.vector_load %arg10[%swap3A_124] {strides = array<i32>} : memref<512xf32, #tpu.memory_space<vmem>>, vector<16xf32>,
    %swap3A_126 = vector.shape_cast %swap3A_125 : vector<16xf32> to vector<16xf32>
    %swap3A_127 = vector.shape_cast %div3A_123 : vector<16xf32> to vector<16xf32>
    tpu.vector_store %arg10[%swap3A_124], %swap3A_127 {strides = array<i32>} : memref<512xf32, #tpu.memory_space<vmem>>, vector<16xf32>,
    %add3A_128 = arith.addf %scan3A_55#5, %get3A_4 : vector<16xf32>
    %neg3A_129 = arith.constant 0.000000e+00 : f32
    %neg3A_130 = vector.broadcast %neg3A_129 : f32 to vector<16xf32>
    %neg3A_131 = arith.subf %neg3A_130, %add3A_128 : vector<16xf32>
    %exp3A_132 = math.exp %neg3A_131 : vector<16xf32>
    %add3A_133 = arith.constant 1.000000e+00 : f32
    %add3A_134 = vector.broadcast %add3A_133 : f32 to vector<16xf32>
    %add3A_135 = arith.addf %add3A_134, %exp3A_132 : vector<16xf32>
    %div3A_136 = arith.constant 1.000000e+00 : f32
    %div3A_137 = vector.broadcast %div3A_136 : f32 to vector<16xf32>
    %div3A_138 = arith.divf %div3A_137, %add3A_135 : vector<16xf32>
    %swap3A_139 = arith.constant 80 : index
    %swap3A_140 = tpu.vector_load %arg10[%swap3A_139] {strides = array<i32>} : memref<512xf32, #tpu.memory_space<vmem>>, vector<16xf32>,
    %swap3A_141 = vector.shape_cast %swap3A_140 : vector<16xf32> to vector<16xf32>
    %swap3A_142 = vector.shape_cast %div3A_138 : vector<16xf32> to vector<16xf32>
    tpu.vector_store %arg10[%swap3A_139], %swap3A_142 {strides = array<i32>} : memref<512xf32, #tpu.memory_space<vmem>>, vector<16xf32>,
    %add3A_143 = arith.addf %scan3A_55#6, %get3A_4 : vector<16xf32>
    %neg3A_144 = arith.constant 0.000000e+00 : f32
    %neg3A_145 = vector.broadcast %neg3A_144 : f32 to vector<16xf32>
    %neg3A_146 = arith.subf %neg3A_145, %add3A_143 : vector<16xf32>
    %exp3A_147 = math.exp %neg3A_146 : vector<16xf32>
    %add3A_148 = arith.constant 1.000000e+00 : f32
    %add3A_149 = vector.broadcast %add3A_148 : f32 to vector<16xf32>
    %add3A_150 = arith.addf %add3A_149, %exp3A_147 : vector<16xf32>
    %div3A_151 = arith.constant 1.000000e+00 : f32
    %div3A_152 = vector.broadcast %div3A_151 : f32 to vector<16xf32>
    %div3A_153 = arith.divf %div3A_152, %add3A_150 : vector<16xf32>
    %swap3A_154 = arith.constant 96 : index
    %swap3A_155 = tpu.vector_load %arg10[%swap3A_154] {strides = array<i32>} : memref<512xf32, #tpu.memory_space<vmem>>, vector<16xf32>,
    %swap3A_156 = vector.shape_cast %swap3A_155 : vector<16xf32> to vector<16xf32>
    %swap3A_157 = vector.shape_cast %div3A_153 : vector<16xf32> to vector<16xf32>
    tpu.vector_store %arg10[%swap3A_154], %swap3A_157 {strides = array<i32>} : memref<512xf32, #tpu.memory_space<vmem>>, vector<16xf32>,
    %add3A_158 = arith.addf %scan3A_55#7, %get3A_4 : vector<16xf32>
    %neg3A_159 = arith.constant 0.000000e+00 : f32
    %neg3A_160 = vector.broadcast %neg3A_159 : f32 to vector<16xf32>
    %neg3A_161 = arith.subf %neg3A_160, %add3A_158 : vector<16xf32>
    %exp3A_162 = math.exp %neg3A_161 : vector<16xf32>
    %add3A_163 = arith.constant 1.000000e+00 : f32
    %add3A_164 = vector.broadcast %add3A_163 : f32 to vector<16xf32>
    %add3A_165 = arith.addf %add3A_164, %exp3A_162 : vector<16xf32>
    %div3A_166 = arith.constant 1.000000e+00 : f32
    %div3A_167 = vector.broadcast %div3A_166 : f32 to vector<16xf32>
    %div3A_168 = arith.divf %div3A_167, %add3A_165 : vector<16xf32>
    %swap3A_169 = arith.constant 112 : index
    %swap3A_170 = tpu.vector_load %arg10[%swap3A_169] {strides = array<i32>} : memref<512xf32, #tpu.memory_space<vmem>>, vector<16xf32>,
    %swap3A_171 = vector.shape_cast %swap3A_170 : vector<16xf32> to vector<16xf32>
    %swap3A_172 = vector.shape_cast %div3A_168 : vector<16xf32> to vector<16xf32>
    tpu.vector_store %arg10[%swap3A_169], %swap3A_172 {strides = array<i32>} : memref<512xf32, #tpu.memory_space<vmem>>, vector<16xf32>,
    %dma_wait3A_173 = arith.constant 0 : i32
    %dma_wait3A_174 = tpu.memref_slice %arg2[%dma_wait3A_173] : memref<1000000xf32, #tpu.memory_space<hbm>> -> memref<1000000xf32, #tpu.memory_space<hbm>>
    tpu.wait_indirect_dma semaphore(%arg12 : memref<!tpu.dma_semaphore, #tpu.memory_space<semaphore_mem>>) src(%dma_wait3A_174 : memref<1000000xf32, #tpu.memory_space<hbm>>) dst(%arg9 : memref<25600xf32, #tpu.memory_space<vmem>>)
    %dma_start3A_175 = arith.constant 0 : i32
    %dma_start3A_176 = tpu.memref_slice %arg2[%dma_start3A_175] : memref<1000000xf32, #tpu.memory_space<hbm>> -> memref<1000000xf32, #tpu.memory_space<hbm>>
    tpu.enqueue_indirect_dma source(%dma_start3A_176 : memref<1000000xf32, #tpu.memory_space<hbm>>) target(%arg8 : memref<25600xf32, #tpu.memory_space<vmem>>) offsets(%arg6 : memref<25600xi32, #tpu.memory_space<vmem>>) semaphore(%arg12 : memref<!tpu.dma_semaphore, #tpu.memory_space<semaphore_mem>>)
    %add3A_177 = arith.constant 384 : i32
    %add3A_178 = arith.addi %mul3A_2, %add3A_177 : i32
    %scan3A_179 = arith.constant 0 : i32
    %scan3A_180 = arith.constant 0 : i32
    %scan3A_181 = arith.constant 200 : i32
    %scan3A_182 = arith.addi %scan3A_180, %scan3A_181 : i32
    %scan3A_183 = arith.constant 1 : i32
    scf.for %scan3A_581 = %scan3A_180 to %scan3A_182 step %scan3A_183  : i32 {
      %mul3A_582 = arith.constant 128 : i32
      %mul3A_583 = arith.muli %scan3A_581, %mul3A_582 : i32
      %dma_start3A_584 = tpu.memref_slice %arg7[%mul3A_583] : memref<25600xi32, #tpu.memory_space<vmem>> -> memref<128xi32, #tpu.memory_space<vmem>>
      %dma_start3A_585 = tpu.memref_slice %arg3[%scan3A_581, %add3A_178] : memref<200x16384xi32, #tpu.memory_space<hbm>> -> memref<1x128xi32, #tpu.memory_space<hbm>>
      %dma_start3A_586 = tpu.memref_squeeze %dma_start3A_585 : memref<1x128xi32, #tpu.memory_space<hbm>> -> memref<128xi32, #tpu.memory_space<hbm>>
      %dma_start3A_587 = tpu.memref_slice %arg7[%mul3A_583] : memref<25600xi32, #tpu.memory_space<vmem>> -> memref<128xi32, #tpu.memory_space<vmem>>
      %dma_start3A_588 = tpu.memref_slice %arg3[%scan3A_581, %add3A_178] : memref<200x16384xi32, #tpu.memory_space<hbm>> -> memref<1x128xi32, #tpu.memory_space<hbm>>
      %dma_start3A_589 = tpu.memref_squeeze %dma_start3A_588 : memref<1x128xi32, #tpu.memory_space<hbm>> -> memref<128xi32, #tpu.memory_space<hbm>>
      tpu.enqueue_dma source(%dma_start3A_589 : memref<128xi32, #tpu.memory_space<hbm>>) target(%dma_start3A_587 : memref<128xi32, #tpu.memory_space<vmem>>) target_semaphore(%arg13 : memref<!tpu.dma_semaphore, #tpu.memory_space<semaphore_mem>>)
    }
    %scan3A_184 = arith.constant 200 : i32
    %scan3A_185 = arith.constant 0 : i32
    %scan3A_186 = arith.constant 0 : i32
    %scan3A_187 = arith.constant 200 : i32
    %scan3A_188 = arith.addi %scan3A_186, %scan3A_187 : i32
    %scan3A_189 = arith.constant 1 : i32
    scf.for %scan3A_581 = %scan3A_186 to %scan3A_188 step %scan3A_189  : i32 {
      %mul3A_582 = arith.constant 128 : i32
      %mul3A_583 = arith.muli %scan3A_581, %mul3A_582 : i32
      %dma_wait3A_584 = tpu.memref_slice %arg7[%mul3A_583] : memref<25600xi32, #tpu.memory_space<vmem>> -> memref<128xi32, #tpu.memory_space<vmem>>
      %dma_wait3A_585 = tpu.memref_slice %arg3[%scan3A_581, %add3A_178] : memref<200x16384xi32, #tpu.memory_space<hbm>> -> memref<1x128xi32, #tpu.memory_space<hbm>>
      %dma_wait3A_586 = tpu.memref_squeeze %dma_wait3A_585 : memref<1x128xi32, #tpu.memory_space<hbm>> -> memref<128xi32, #tpu.memory_space<hbm>>
      %dma_wait3A_587 = tpu.memref_slice %arg7[%mul3A_583] : memref<25600xi32, #tpu.memory_space<vmem>> -> memref<128xi32, #tpu.memory_space<vmem>>
      %dma_wait3A_588 = tpu.memref_slice %arg3[%scan3A_581, %add3A_178] : memref<200x16384xi32, #tpu.memory_space<hbm>> -> memref<1x128xi32, #tpu.memory_space<hbm>>
      %dma_wait3A_589 = tpu.memref_squeeze %dma_wait3A_588 : memref<1x128xi32, #tpu.memory_space<hbm>> -> memref<128xi32, #tpu.memory_space<hbm>>
      tpu.wait_dma2 semaphore(%arg13 : memref<!tpu.dma_semaphore, #tpu.memory_space<semaphore_mem>>) src(%dma_wait3A_589 : memref<128xi32, #tpu.memory_space<hbm>>) dst(%dma_wait3A_587 : memref<128xi32, #tpu.memory_space<vmem>>)
    }
    %scan3A_190 = arith.constant 200 : i32
    %broadcast_in_dim3A_191 = arith.constant 0.000000e+00 : f32
    %broadcast_in_dim3A_192 = vector.broadcast %broadcast_in_dim3A_191 : f32 to vector<16xf32>
    %scan3A_193 = arith.constant 0 : i32
    %scan3A_194 = arith.constant 200 : i32
    %scan3A_195 = arith.addi %scan3A_193, %scan3A_194 : i32
    %scan3A_196 = arith.constant 1 : i32
    %scan3A_197:8 = scf.for %scan3A_581 = %scan3A_193 to %scan3A_195 step %scan3A_196 iter_args(%scan3A_582 = %broadcast_in_dim3A_192, %scan3A_583 = %broadcast_in_dim3A_192, %scan3A_584 = %broadcast_in_dim3A_192, %scan3A_585 = %broadcast_in_dim3A_192, %scan3A_586 = %broadcast_in_dim3A_192, %scan3A_587 = %broadcast_in_dim3A_192, %scan3A_588 = %broadcast_in_dim3A_192, %scan3A_589 = %broadcast_in_dim3A_192) -> (vector<16xf32>, vector<16xf32>, vector<16xf32>, vector<16xf32>, vector<16xf32>, vector<16xf32>, vector<16xf32>, vector<16xf32>)  : i32 {
      %mul3A_590 = arith.constant 128 : i32
      %mul3A_591 = arith.muli %scan3A_581, %mul3A_590 : i32
      %add3A_592 = arith.constant 0 : i32
      %add3A_593 = arith.addi %mul3A_591, %add3A_592 : i32
      %get3A_594 = arith.index_cast %add3A_593 : i32 to index
      %get3A_595 = tpu.vector_load %arg9[%get3A_594] {strides = array<i32>} : memref<25600xf32, #tpu.memory_space<vmem>>, vector<16xf32>,
      %get3A_596 = vector.shape_cast %get3A_595 : vector<16xf32> to vector<16xf32>
      %add3A_597 = arith.addf %scan3A_582, %get3A_596 : vector<16xf32>
      %add3A_598 = arith.constant 16 : i32
      %add3A_599 = arith.addi %mul3A_591, %add3A_598 : i32
      %get3A_600 = arith.index_cast %add3A_599 : i32 to index
      %get3A_601 = tpu.vector_load %arg9[%get3A_600] {strides = array<i32>} : memref<25600xf32, #tpu.memory_space<vmem>>, vector<16xf32>,
      %get3A_602 = vector.shape_cast %get3A_601 : vector<16xf32> to vector<16xf32>
      %add3A_603 = arith.addf %scan3A_583, %get3A_602 : vector<16xf32>
      %add3A_604 = arith.constant 32 : i32
      %add3A_605 = arith.addi %mul3A_591, %add3A_604 : i32
      %get3A_606 = arith.index_cast %add3A_605 : i32 to index
      %get3A_607 = tpu.vector_load %arg9[%get3A_606] {strides = array<i32>} : memref<25600xf32, #tpu.memory_space<vmem>>, vector<16xf32>,
      %get3A_608 = vector.shape_cast %get3A_607 : vector<16xf32> to vector<16xf32>
      %add3A_609 = arith.addf %scan3A_584, %get3A_608 : vector<16xf32>
      %add3A_610 = arith.constant 48 : i32
      %add3A_611 = arith.addi %mul3A_591, %add3A_610 : i32
      %get3A_612 = arith.index_cast %add3A_611 : i32 to index
      %get3A_613 = tpu.vector_load %arg9[%get3A_612] {strides = array<i32>} : memref<25600xf32, #tpu.memory_space<vmem>>, vector<16xf32>,
      %get3A_614 = vector.shape_cast %get3A_613 : vector<16xf32> to vector<16xf32>
      %add3A_615 = arith.addf %scan3A_585, %get3A_614 : vector<16xf32>
      %add3A_616 = arith.constant 64 : i32
      %add3A_617 = arith.addi %mul3A_591, %add3A_616 : i32
      %get3A_618 = arith.index_cast %add3A_617 : i32 to index
      %get3A_619 = tpu.vector_load %arg9[%get3A_618] {strides = array<i32>} : memref<25600xf32, #tpu.memory_space<vmem>>, vector<16xf32>,
      %get3A_620 = vector.shape_cast %get3A_619 : vector<16xf32> to vector<16xf32>
      %add3A_621 = arith.addf %scan3A_586, %get3A_620 : vector<16xf32>
      %add3A_622 = arith.constant 80 : i32
      %add3A_623 = arith.addi %mul3A_591, %add3A_622 : i32
      %get3A_624 = arith.index_cast %add3A_623 : i32 to index
      %get3A_625 = tpu.vector_load %arg9[%get3A_624] {strides = array<i32>} : memref<25600xf32, #tpu.memory_space<vmem>>, vector<16xf32>,
      %get3A_626 = vector.shape_cast %get3A_625 : vector<16xf32> to vector<16xf32>
      %add3A_627 = arith.addf %scan3A_587, %get3A_626 : vector<16xf32>
      %add3A_628 = arith.constant 96 : i32
      %add3A_629 = arith.addi %mul3A_591, %add3A_628 : i32
      %get3A_630 = arith.index_cast %add3A_629 : i32 to index
      %get3A_631 = tpu.vector_load %arg9[%get3A_630] {strides = array<i32>} : memref<25600xf32, #tpu.memory_space<vmem>>, vector<16xf32>,
      %get3A_632 = vector.shape_cast %get3A_631 : vector<16xf32> to vector<16xf32>
      %add3A_633 = arith.addf %scan3A_588, %get3A_632 : vector<16xf32>
      %add3A_634 = arith.constant 112 : i32
      %add3A_635 = arith.addi %mul3A_591, %add3A_634 : i32
      %get3A_636 = arith.index_cast %add3A_635 : i32 to index
      %get3A_637 = tpu.vector_load %arg9[%get3A_636] {strides = array<i32>} : memref<25600xf32, #tpu.memory_space<vmem>>, vector<16xf32>,
      %get3A_638 = vector.shape_cast %get3A_637 : vector<16xf32> to vector<16xf32>
      %add3A_639 = arith.addf %scan3A_589, %get3A_638 : vector<16xf32>
      scf.yield %add3A_597, %add3A_603, %add3A_609, %add3A_615, %add3A_621, %add3A_627, %add3A_633, %add3A_639 : vector<16xf32>, vector<16xf32>, vector<16xf32>, vector<16xf32>, vector<16xf32>, vector<16xf32>, vector<16xf32>, vector<16xf32>
    }
    %scan3A_198 = arith.constant 200 : i32
    %add3A_199 = arith.addf %scan3A_197#0, %get3A_4 : vector<16xf32>
    %neg3A_200 = arith.constant 0.000000e+00 : f32
    %neg3A_201 = vector.broadcast %neg3A_200 : f32 to vector<16xf32>
    %neg3A_202 = arith.subf %neg3A_201, %add3A_199 : vector<16xf32>
    %exp3A_203 = math.exp %neg3A_202 : vector<16xf32>
    %add3A_204 = arith.constant 1.000000e+00 : f32
    %add3A_205 = vector.broadcast %add3A_204 : f32 to vector<16xf32>
    %add3A_206 = arith.addf %add3A_205, %exp3A_203 : vector<16xf32>
    %div3A_207 = arith.constant 1.000000e+00 : f32
    %div3A_208 = vector.broadcast %div3A_207 : f32 to vector<16xf32>
    %div3A_209 = arith.divf %div3A_208, %add3A_206 : vector<16xf32>
    %swap3A_210 = arith.constant 128 : index
    %swap3A_211 = tpu.vector_load %arg10[%swap3A_210] {strides = array<i32>} : memref<512xf32, #tpu.memory_space<vmem>>, vector<16xf32>,
    %swap3A_212 = vector.shape_cast %swap3A_211 : vector<16xf32> to vector<16xf32>
    %swap3A_213 = vector.shape_cast %div3A_209 : vector<16xf32> to vector<16xf32>
    tpu.vector_store %arg10[%swap3A_210], %swap3A_213 {strides = array<i32>} : memref<512xf32, #tpu.memory_space<vmem>>, vector<16xf32>,
    %add3A_214 = arith.addf %scan3A_197#1, %get3A_4 : vector<16xf32>
    %neg3A_215 = arith.constant 0.000000e+00 : f32
    %neg3A_216 = vector.broadcast %neg3A_215 : f32 to vector<16xf32>
    %neg3A_217 = arith.subf %neg3A_216, %add3A_214 : vector<16xf32>
    %exp3A_218 = math.exp %neg3A_217 : vector<16xf32>
    %add3A_219 = arith.constant 1.000000e+00 : f32
    %add3A_220 = vector.broadcast %add3A_219 : f32 to vector<16xf32>
    %add3A_221 = arith.addf %add3A_220, %exp3A_218 : vector<16xf32>
    %div3A_222 = arith.constant 1.000000e+00 : f32
    %div3A_223 = vector.broadcast %div3A_222 : f32 to vector<16xf32>
    %div3A_224 = arith.divf %div3A_223, %add3A_221 : vector<16xf32>
    %swap3A_225 = arith.constant 144 : index
    %swap3A_226 = tpu.vector_load %arg10[%swap3A_225] {strides = array<i32>} : memref<512xf32, #tpu.memory_space<vmem>>, vector<16xf32>,
    %swap3A_227 = vector.shape_cast %swap3A_226 : vector<16xf32> to vector<16xf32>
    %swap3A_228 = vector.shape_cast %div3A_224 : vector<16xf32> to vector<16xf32>
    tpu.vector_store %arg10[%swap3A_225], %swap3A_228 {strides = array<i32>} : memref<512xf32, #tpu.memory_space<vmem>>, vector<16xf32>,
    %add3A_229 = arith.addf %scan3A_197#2, %get3A_4 : vector<16xf32>
    %neg3A_230 = arith.constant 0.000000e+00 : f32
    %neg3A_231 = vector.broadcast %neg3A_230 : f32 to vector<16xf32>
    %neg3A_232 = arith.subf %neg3A_231, %add3A_229 : vector<16xf32>
    %exp3A_233 = math.exp %neg3A_232 : vector<16xf32>
    %add3A_234 = arith.constant 1.000000e+00 : f32
    %add3A_235 = vector.broadcast %add3A_234 : f32 to vector<16xf32>
    %add3A_236 = arith.addf %add3A_235, %exp3A_233 : vector<16xf32>
    %div3A_237 = arith.constant 1.000000e+00 : f32
    %div3A_238 = vector.broadcast %div3A_237 : f32 to vector<16xf32>
    %div3A_239 = arith.divf %div3A_238, %add3A_236 : vector<16xf32>
    %swap3A_240 = arith.constant 160 : index
    %swap3A_241 = tpu.vector_load %arg10[%swap3A_240] {strides = array<i32>} : memref<512xf32, #tpu.memory_space<vmem>>, vector<16xf32>,
    %swap3A_242 = vector.shape_cast %swap3A_241 : vector<16xf32> to vector<16xf32>
    %swap3A_243 = vector.shape_cast %div3A_239 : vector<16xf32> to vector<16xf32>
    tpu.vector_store %arg10[%swap3A_240], %swap3A_243 {strides = array<i32>} : memref<512xf32, #tpu.memory_space<vmem>>, vector<16xf32>,
    %add3A_244 = arith.addf %scan3A_197#3, %get3A_4 : vector<16xf32>
    %neg3A_245 = arith.constant 0.000000e+00 : f32
    %neg3A_246 = vector.broadcast %neg3A_245 : f32 to vector<16xf32>
    %neg3A_247 = arith.subf %neg3A_246, %add3A_244 : vector<16xf32>
    %exp3A_248 = math.exp %neg3A_247 : vector<16xf32>
    %add3A_249 = arith.constant 1.000000e+00 : f32
    %add3A_250 = vector.broadcast %add3A_249 : f32 to vector<16xf32>
    %add3A_251 = arith.addf %add3A_250, %exp3A_248 : vector<16xf32>
    %div3A_252 = arith.constant 1.000000e+00 : f32
    %div3A_253 = vector.broadcast %div3A_252 : f32 to vector<16xf32>
    %div3A_254 = arith.divf %div3A_253, %add3A_251 : vector<16xf32>
    %swap3A_255 = arith.constant 176 : index
    %swap3A_256 = tpu.vector_load %arg10[%swap3A_255] {strides = array<i32>} : memref<512xf32, #tpu.memory_space<vmem>>, vector<16xf32>,
    %swap3A_257 = vector.shape_cast %swap3A_256 : vector<16xf32> to vector<16xf32>
    %swap3A_258 = vector.shape_cast %div3A_254 : vector<16xf32> to vector<16xf32>
    tpu.vector_store %arg10[%swap3A_255], %swap3A_258 {strides = array<i32>} : memref<512xf32, #tpu.memory_space<vmem>>, vector<16xf32>,
    %add3A_259 = arith.addf %scan3A_197#4, %get3A_4 : vector<16xf32>
    %neg3A_260 = arith.constant 0.000000e+00 : f32
    %neg3A_261 = vector.broadcast %neg3A_260 : f32 to vector<16xf32>
    %neg3A_262 = arith.subf %neg3A_261, %add3A_259 : vector<16xf32>
    %exp3A_263 = math.exp %neg3A_262 : vector<16xf32>
    %add3A_264 = arith.constant 1.000000e+00 : f32
    %add3A_265 = vector.broadcast %add3A_264 : f32 to vector<16xf32>
    %add3A_266 = arith.addf %add3A_265, %exp3A_263 : vector<16xf32>
    %div3A_267 = arith.constant 1.000000e+00 : f32
    %div3A_268 = vector.broadcast %div3A_267 : f32 to vector<16xf32>
    %div3A_269 = arith.divf %div3A_268, %add3A_266 : vector<16xf32>
    %swap3A_270 = arith.constant 192 : index
    %swap3A_271 = tpu.vector_load %arg10[%swap3A_270] {strides = array<i32>} : memref<512xf32, #tpu.memory_space<vmem>>, vector<16xf32>,
    %swap3A_272 = vector.shape_cast %swap3A_271 : vector<16xf32> to vector<16xf32>
    %swap3A_273 = vector.shape_cast %div3A_269 : vector<16xf32> to vector<16xf32>
    tpu.vector_store %arg10[%swap3A_270], %swap3A_273 {strides = array<i32>} : memref<512xf32, #tpu.memory_space<vmem>>, vector<16xf32>,
    %add3A_274 = arith.addf %scan3A_197#5, %get3A_4 : vector<16xf32>
    %neg3A_275 = arith.constant 0.000000e+00 : f32
    %neg3A_276 = vector.broadcast %neg3A_275 : f32 to vector<16xf32>
    %neg3A_277 = arith.subf %neg3A_276, %add3A_274 : vector<16xf32>
    %exp3A_278 = math.exp %neg3A_277 : vector<16xf32>
    %add3A_279 = arith.constant 1.000000e+00 : f32
    %add3A_280 = vector.broadcast %add3A_279 : f32 to vector<16xf32>
    %add3A_281 = arith.addf %add3A_280, %exp3A_278 : vector<16xf32>
    %div3A_282 = arith.constant 1.000000e+00 : f32
    %div3A_283 = vector.broadcast %div3A_282 : f32 to vector<16xf32>
    %div3A_284 = arith.divf %div3A_283, %add3A_281 : vector<16xf32>
    %swap3A_285 = arith.constant 208 : index
    %swap3A_286 = tpu.vector_load %arg10[%swap3A_285] {strides = array<i32>} : memref<512xf32, #tpu.memory_space<vmem>>, vector<16xf32>,
    %swap3A_287 = vector.shape_cast %swap3A_286 : vector<16xf32> to vector<16xf32>
    %swap3A_288 = vector.shape_cast %div3A_284 : vector<16xf32> to vector<16xf32>
    tpu.vector_store %arg10[%swap3A_285], %swap3A_288 {strides = array<i32>} : memref<512xf32, #tpu.memory_space<vmem>>, vector<16xf32>,
    %add3A_289 = arith.addf %scan3A_197#6, %get3A_4 : vector<16xf32>
    %neg3A_290 = arith.constant 0.000000e+00 : f32
    %neg3A_291 = vector.broadcast %neg3A_290 : f32 to vector<16xf32>
    %neg3A_292 = arith.subf %neg3A_291, %add3A_289 : vector<16xf32>
    %exp3A_293 = math.exp %neg3A_292 : vector<16xf32>
    %add3A_294 = arith.constant 1.000000e+00 : f32
    %add3A_295 = vector.broadcast %add3A_294 : f32 to vector<16xf32>
    %add3A_296 = arith.addf %add3A_295, %exp3A_293 : vector<16xf32>
    %div3A_297 = arith.constant 1.000000e+00 : f32
    %div3A_298 = vector.broadcast %div3A_297 : f32 to vector<16xf32>
    %div3A_299 = arith.divf %div3A_298, %add3A_296 : vector<16xf32>
    %swap3A_300 = arith.constant 224 : index
    %swap3A_301 = tpu.vector_load %arg10[%swap3A_300] {strides = array<i32>} : memref<512xf32, #tpu.memory_space<vmem>>, vector<16xf32>,
    %swap3A_302 = vector.shape_cast %swap3A_301 : vector<16xf32> to vector<16xf32>
    %swap3A_303 = vector.shape_cast %div3A_299 : vector<16xf32> to vector<16xf32>
    tpu.vector_store %arg10[%swap3A_300], %swap3A_303 {strides = array<i32>} : memref<512xf32, #tpu.memory_space<vmem>>, vector<16xf32>,
    %add3A_304 = arith.addf %scan3A_197#7, %get3A_4 : vector<16xf32>
    %neg3A_305 = arith.constant 0.000000e+00 : f32
    %neg3A_306 = vector.broadcast %neg3A_305 : f32 to vector<16xf32>
    %neg3A_307 = arith.subf %neg3A_306, %add3A_304 : vector<16xf32>
    %exp3A_308 = math.exp %neg3A_307 : vector<16xf32>
    %add3A_309 = arith.constant 1.000000e+00 : f32
    %add3A_310 = vector.broadcast %add3A_309 : f32 to vector<16xf32>
    %add3A_311 = arith.addf %add3A_310, %exp3A_308 : vector<16xf32>
    %div3A_312 = arith.constant 1.000000e+00 : f32
    %div3A_313 = vector.broadcast %div3A_312 : f32 to vector<16xf32>
    %div3A_314 = arith.divf %div3A_313, %add3A_311 : vector<16xf32>
    %swap3A_315 = arith.constant 240 : index
    %swap3A_316 = tpu.vector_load %arg10[%swap3A_315] {strides = array<i32>} : memref<512xf32, #tpu.memory_space<vmem>>, vector<16xf32>,
    %swap3A_317 = vector.shape_cast %swap3A_316 : vector<16xf32> to vector<16xf32>
    %swap3A_318 = vector.shape_cast %div3A_314 : vector<16xf32> to vector<16xf32>
    tpu.vector_store %arg10[%swap3A_315], %swap3A_318 {strides = array<i32>} : memref<512xf32, #tpu.memory_space<vmem>>, vector<16xf32>,
    %dma_wait3A_319 = arith.constant 0 : i32
    %dma_wait3A_320 = tpu.memref_slice %arg2[%dma_wait3A_319] : memref<1000000xf32, #tpu.memory_space<hbm>> -> memref<1000000xf32, #tpu.memory_space<hbm>>
    tpu.wait_indirect_dma semaphore(%arg12 : memref<!tpu.dma_semaphore, #tpu.memory_space<semaphore_mem>>) src(%dma_wait3A_320 : memref<1000000xf32, #tpu.memory_space<hbm>>) dst(%arg8 : memref<25600xf32, #tpu.memory_space<vmem>>)
    %dma_start3A_321 = arith.constant 0 : i32
    %dma_start3A_322 = tpu.memref_slice %arg2[%dma_start3A_321] : memref<1000000xf32, #tpu.memory_space<hbm>> -> memref<1000000xf32, #tpu.memory_space<hbm>>
    tpu.enqueue_indirect_dma source(%dma_start3A_322 : memref<1000000xf32, #tpu.memory_space<hbm>>) target(%arg9 : memref<25600xf32, #tpu.memory_space<vmem>>) offsets(%arg7 : memref<25600xi32, #tpu.memory_space<vmem>>) semaphore(%arg12 : memref<!tpu.dma_semaphore, #tpu.memory_space<semaphore_mem>>)
    %broadcast_in_dim3A_323 = arith.constant 0.000000e+00 : f32
    %broadcast_in_dim3A_324 = vector.broadcast %broadcast_in_dim3A_323 : f32 to vector<16xf32>
    %scan3A_325 = arith.constant 0 : i32
    %scan3A_326 = arith.constant 200 : i32
    %scan3A_327 = arith.addi %scan3A_325, %scan3A_326 : i32
    %scan3A_328 = arith.constant 1 : i32
    %scan3A_329:8 = scf.for %scan3A_581 = %scan3A_325 to %scan3A_327 step %scan3A_328 iter_args(%scan3A_582 = %broadcast_in_dim3A_324, %scan3A_583 = %broadcast_in_dim3A_324, %scan3A_584 = %broadcast_in_dim3A_324, %scan3A_585 = %broadcast_in_dim3A_324, %scan3A_586 = %broadcast_in_dim3A_324, %scan3A_587 = %broadcast_in_dim3A_324, %scan3A_588 = %broadcast_in_dim3A_324, %scan3A_589 = %broadcast_in_dim3A_324) -> (vector<16xf32>, vector<16xf32>, vector<16xf32>, vector<16xf32>, vector<16xf32>, vector<16xf32>, vector<16xf32>, vector<16xf32>)  : i32 {
      %mul3A_590 = arith.constant 128 : i32
      %mul3A_591 = arith.muli %scan3A_581, %mul3A_590 : i32
      %add3A_592 = arith.constant 0 : i32
      %add3A_593 = arith.addi %mul3A_591, %add3A_592 : i32
      %get3A_594 = arith.index_cast %add3A_593 : i32 to index
      %get3A_595 = tpu.vector_load %arg8[%get3A_594] {strides = array<i32>} : memref<25600xf32, #tpu.memory_space<vmem>>, vector<16xf32>,
      %get3A_596 = vector.shape_cast %get3A_595 : vector<16xf32> to vector<16xf32>
      %add3A_597 = arith.addf %scan3A_582, %get3A_596 : vector<16xf32>
      %add3A_598 = arith.constant 16 : i32
      %add3A_599 = arith.addi %mul3A_591, %add3A_598 : i32
      %get3A_600 = arith.index_cast %add3A_599 : i32 to index
      %get3A_601 = tpu.vector_load %arg8[%get3A_600] {strides = array<i32>} : memref<25600xf32, #tpu.memory_space<vmem>>, vector<16xf32>,
      %get3A_602 = vector.shape_cast %get3A_601 : vector<16xf32> to vector<16xf32>
      %add3A_603 = arith.addf %scan3A_583, %get3A_602 : vector<16xf32>
      %add3A_604 = arith.constant 32 : i32
      %add3A_605 = arith.addi %mul3A_591, %add3A_604 : i32
      %get3A_606 = arith.index_cast %add3A_605 : i32 to index
      %get3A_607 = tpu.vector_load %arg8[%get3A_606] {strides = array<i32>} : memref<25600xf32, #tpu.memory_space<vmem>>, vector<16xf32>,
      %get3A_608 = vector.shape_cast %get3A_607 : vector<16xf32> to vector<16xf32>
      %add3A_609 = arith.addf %scan3A_584, %get3A_608 : vector<16xf32>
      %add3A_610 = arith.constant 48 : i32
      %add3A_611 = arith.addi %mul3A_591, %add3A_610 : i32
      %get3A_612 = arith.index_cast %add3A_611 : i32 to index
      %get3A_613 = tpu.vector_load %arg8[%get3A_612] {strides = array<i32>} : memref<25600xf32, #tpu.memory_space<vmem>>, vector<16xf32>,
      %get3A_614 = vector.shape_cast %get3A_613 : vector<16xf32> to vector<16xf32>
      %add3A_615 = arith.addf %scan3A_585, %get3A_614 : vector<16xf32>
      %add3A_616 = arith.constant 64 : i32
      %add3A_617 = arith.addi %mul3A_591, %add3A_616 : i32
      %get3A_618 = arith.index_cast %add3A_617 : i32 to index
      %get3A_619 = tpu.vector_load %arg8[%get3A_618] {strides = array<i32>} : memref<25600xf32, #tpu.memory_space<vmem>>, vector<16xf32>,
      %get3A_620 = vector.shape_cast %get3A_619 : vector<16xf32> to vector<16xf32>
      %add3A_621 = arith.addf %scan3A_586, %get3A_620 : vector<16xf32>
      %add3A_622 = arith.constant 80 : i32
      %add3A_623 = arith.addi %mul3A_591, %add3A_622 : i32
      %get3A_624 = arith.index_cast %add3A_623 : i32 to index
      %get3A_625 = tpu.vector_load %arg8[%get3A_624] {strides = array<i32>} : memref<25600xf32, #tpu.memory_space<vmem>>, vector<16xf32>,
      %get3A_626 = vector.shape_cast %get3A_625 : vector<16xf32> to vector<16xf32>
      %add3A_627 = arith.addf %scan3A_587, %get3A_626 : vector<16xf32>
      %add3A_628 = arith.constant 96 : i32
      %add3A_629 = arith.addi %mul3A_591, %add3A_628 : i32
      %get3A_630 = arith.index_cast %add3A_629 : i32 to index
      %get3A_631 = tpu.vector_load %arg8[%get3A_630] {strides = array<i32>} : memref<25600xf32, #tpu.memory_space<vmem>>, vector<16xf32>,
      %get3A_632 = vector.shape_cast %get3A_631 : vector<16xf32> to vector<16xf32>
      %add3A_633 = arith.addf %scan3A_588, %get3A_632 : vector<16xf32>
      %add3A_634 = arith.constant 112 : i32
      %add3A_635 = arith.addi %mul3A_591, %add3A_634 : i32
      %get3A_636 = arith.index_cast %add3A_635 : i32 to index
      %get3A_637 = tpu.vector_load %arg8[%get3A_636] {strides = array<i32>} : memref<25600xf32, #tpu.memory_space<vmem>>, vector<16xf32>,
      %get3A_638 = vector.shape_cast %get3A_637 : vector<16xf32> to vector<16xf32>
      %add3A_639 = arith.addf %scan3A_589, %get3A_638 : vector<16xf32>
      scf.yield %add3A_597, %add3A_603, %add3A_609, %add3A_615, %add3A_621, %add3A_627, %add3A_633, %add3A_639 : vector<16xf32>, vector<16xf32>, vector<16xf32>, vector<16xf32>, vector<16xf32>, vector<16xf32>, vector<16xf32>, vector<16xf32>
    }
    %scan3A_330 = arith.constant 200 : i32
    %add3A_331 = arith.addf %scan3A_329#0, %get3A_4 : vector<16xf32>
    %neg3A_332 = arith.constant 0.000000e+00 : f32
    %neg3A_333 = vector.broadcast %neg3A_332 : f32 to vector<16xf32>
    %neg3A_334 = arith.subf %neg3A_333, %add3A_331 : vector<16xf32>
    %exp3A_335 = math.exp %neg3A_334 : vector<16xf32>
    %add3A_336 = arith.constant 1.000000e+00 : f32
    %add3A_337 = vector.broadcast %add3A_336 : f32 to vector<16xf32>
    %add3A_338 = arith.addf %add3A_337, %exp3A_335 : vector<16xf32>
    %div3A_339 = arith.constant 1.000000e+00 : f32
    %div3A_340 = vector.broadcast %div3A_339 : f32 to vector<16xf32>
    %div3A_341 = arith.divf %div3A_340, %add3A_338 : vector<16xf32>
    %swap3A_342 = arith.constant 256 : index
    %swap3A_343 = tpu.vector_load %arg10[%swap3A_342] {strides = array<i32>} : memref<512xf32, #tpu.memory_space<vmem>>, vector<16xf32>,
    %swap3A_344 = vector.shape_cast %swap3A_343 : vector<16xf32> to vector<16xf32>
    %swap3A_345 = vector.shape_cast %div3A_341 : vector<16xf32> to vector<16xf32>
    tpu.vector_store %arg10[%swap3A_342], %swap3A_345 {strides = array<i32>} : memref<512xf32, #tpu.memory_space<vmem>>, vector<16xf32>,
    %add3A_346 = arith.addf %scan3A_329#1, %get3A_4 : vector<16xf32>
    %neg3A_347 = arith.constant 0.000000e+00 : f32
    %neg3A_348 = vector.broadcast %neg3A_347 : f32 to vector<16xf32>
    %neg3A_349 = arith.subf %neg3A_348, %add3A_346 : vector<16xf32>
    %exp3A_350 = math.exp %neg3A_349 : vector<16xf32>
    %add3A_351 = arith.constant 1.000000e+00 : f32
    %add3A_352 = vector.broadcast %add3A_351 : f32 to vector<16xf32>
    %add3A_353 = arith.addf %add3A_352, %exp3A_350 : vector<16xf32>
    %div3A_354 = arith.constant 1.000000e+00 : f32
    %div3A_355 = vector.broadcast %div3A_354 : f32 to vector<16xf32>
    %div3A_356 = arith.divf %div3A_355, %add3A_353 : vector<16xf32>
    %swap3A_357 = arith.constant 272 : index
    %swap3A_358 = tpu.vector_load %arg10[%swap3A_357] {strides = array<i32>} : memref<512xf32, #tpu.memory_space<vmem>>, vector<16xf32>,
    %swap3A_359 = vector.shape_cast %swap3A_358 : vector<16xf32> to vector<16xf32>
    %swap3A_360 = vector.shape_cast %div3A_356 : vector<16xf32> to vector<16xf32>
    tpu.vector_store %arg10[%swap3A_357], %swap3A_360 {strides = array<i32>} : memref<512xf32, #tpu.memory_space<vmem>>, vector<16xf32>,
    %add3A_361 = arith.addf %scan3A_329#2, %get3A_4 : vector<16xf32>
    %neg3A_362 = arith.constant 0.000000e+00 : f32
    %neg3A_363 = vector.broadcast %neg3A_362 : f32 to vector<16xf32>
    %neg3A_364 = arith.subf %neg3A_363, %add3A_361 : vector<16xf32>
    %exp3A_365 = math.exp %neg3A_364 : vector<16xf32>
    %add3A_366 = arith.constant 1.000000e+00 : f32
    %add3A_367 = vector.broadcast %add3A_366 : f32 to vector<16xf32>
    %add3A_368 = arith.addf %add3A_367, %exp3A_365 : vector<16xf32>
    %div3A_369 = arith.constant 1.000000e+00 : f32
    %div3A_370 = vector.broadcast %div3A_369 : f32 to vector<16xf32>
    %div3A_371 = arith.divf %div3A_370, %add3A_368 : vector<16xf32>
    %swap3A_372 = arith.constant 288 : index
    %swap3A_373 = tpu.vector_load %arg10[%swap3A_372] {strides = array<i32>} : memref<512xf32, #tpu.memory_space<vmem>>, vector<16xf32>,
    %swap3A_374 = vector.shape_cast %swap3A_373 : vector<16xf32> to vector<16xf32>
    %swap3A_375 = vector.shape_cast %div3A_371 : vector<16xf32> to vector<16xf32>
    tpu.vector_store %arg10[%swap3A_372], %swap3A_375 {strides = array<i32>} : memref<512xf32, #tpu.memory_space<vmem>>, vector<16xf32>,
    %add3A_376 = arith.addf %scan3A_329#3, %get3A_4 : vector<16xf32>
    %neg3A_377 = arith.constant 0.000000e+00 : f32
    %neg3A_378 = vector.broadcast %neg3A_377 : f32 to vector<16xf32>
    %neg3A_379 = arith.subf %neg3A_378, %add3A_376 : vector<16xf32>
    %exp3A_380 = math.exp %neg3A_379 : vector<16xf32>
    %add3A_381 = arith.constant 1.000000e+00 : f32
    %add3A_382 = vector.broadcast %add3A_381 : f32 to vector<16xf32>
    %add3A_383 = arith.addf %add3A_382, %exp3A_380 : vector<16xf32>
    %div3A_384 = arith.constant 1.000000e+00 : f32
    %div3A_385 = vector.broadcast %div3A_384 : f32 to vector<16xf32>
    %div3A_386 = arith.divf %div3A_385, %add3A_383 : vector<16xf32>
    %swap3A_387 = arith.constant 304 : index
    %swap3A_388 = tpu.vector_load %arg10[%swap3A_387] {strides = array<i32>} : memref<512xf32, #tpu.memory_space<vmem>>, vector<16xf32>,
    %swap3A_389 = vector.shape_cast %swap3A_388 : vector<16xf32> to vector<16xf32>
    %swap3A_390 = vector.shape_cast %div3A_386 : vector<16xf32> to vector<16xf32>
    tpu.vector_store %arg10[%swap3A_387], %swap3A_390 {strides = array<i32>} : memref<512xf32, #tpu.memory_space<vmem>>, vector<16xf32>,
    %add3A_391 = arith.addf %scan3A_329#4, %get3A_4 : vector<16xf32>
    %neg3A_392 = arith.constant 0.000000e+00 : f32
    %neg3A_393 = vector.broadcast %neg3A_392 : f32 to vector<16xf32>
    %neg3A_394 = arith.subf %neg3A_393, %add3A_391 : vector<16xf32>
    %exp3A_395 = math.exp %neg3A_394 : vector<16xf32>
    %add3A_396 = arith.constant 1.000000e+00 : f32
    %add3A_397 = vector.broadcast %add3A_396 : f32 to vector<16xf32>
    %add3A_398 = arith.addf %add3A_397, %exp3A_395 : vector<16xf32>
    %div3A_399 = arith.constant 1.000000e+00 : f32
    %div3A_400 = vector.broadcast %div3A_399 : f32 to vector<16xf32>
    %div3A_401 = arith.divf %div3A_400, %add3A_398 : vector<16xf32>
    %swap3A_402 = arith.constant 320 : index
    %swap3A_403 = tpu.vector_load %arg10[%swap3A_402] {strides = array<i32>} : memref<512xf32, #tpu.memory_space<vmem>>, vector<16xf32>,
    %swap3A_404 = vector.shape_cast %swap3A_403 : vector<16xf32> to vector<16xf32>
    %swap3A_405 = vector.shape_cast %div3A_401 : vector<16xf32> to vector<16xf32>
    tpu.vector_store %arg10[%swap3A_402], %swap3A_405 {strides = array<i32>} : memref<512xf32, #tpu.memory_space<vmem>>, vector<16xf32>,
    %add3A_406 = arith.addf %scan3A_329#5, %get3A_4 : vector<16xf32>
    %neg3A_407 = arith.constant 0.000000e+00 : f32
    %neg3A_408 = vector.broadcast %neg3A_407 : f32 to vector<16xf32>
    %neg3A_409 = arith.subf %neg3A_408, %add3A_406 : vector<16xf32>
    %exp3A_410 = math.exp %neg3A_409 : vector<16xf32>
    %add3A_411 = arith.constant 1.000000e+00 : f32
    %add3A_412 = vector.broadcast %add3A_411 : f32 to vector<16xf32>
    %add3A_413 = arith.addf %add3A_412, %exp3A_410 : vector<16xf32>
    %div3A_414 = arith.constant 1.000000e+00 : f32
    %div3A_415 = vector.broadcast %div3A_414 : f32 to vector<16xf32>
    %div3A_416 = arith.divf %div3A_415, %add3A_413 : vector<16xf32>
    %swap3A_417 = arith.constant 336 : index
    %swap3A_418 = tpu.vector_load %arg10[%swap3A_417] {strides = array<i32>} : memref<512xf32, #tpu.memory_space<vmem>>, vector<16xf32>,
    %swap3A_419 = vector.shape_cast %swap3A_418 : vector<16xf32> to vector<16xf32>
    %swap3A_420 = vector.shape_cast %div3A_416 : vector<16xf32> to vector<16xf32>
    tpu.vector_store %arg10[%swap3A_417], %swap3A_420 {strides = array<i32>} : memref<512xf32, #tpu.memory_space<vmem>>, vector<16xf32>,
    %add3A_421 = arith.addf %scan3A_329#6, %get3A_4 : vector<16xf32>
    %neg3A_422 = arith.constant 0.000000e+00 : f32
    %neg3A_423 = vector.broadcast %neg3A_422 : f32 to vector<16xf32>
    %neg3A_424 = arith.subf %neg3A_423, %add3A_421 : vector<16xf32>
    %exp3A_425 = math.exp %neg3A_424 : vector<16xf32>
    %add3A_426 = arith.constant 1.000000e+00 : f32
    %add3A_427 = vector.broadcast %add3A_426 : f32 to vector<16xf32>
    %add3A_428 = arith.addf %add3A_427, %exp3A_425 : vector<16xf32>
    %div3A_429 = arith.constant 1.000000e+00 : f32
    %div3A_430 = vector.broadcast %div3A_429 : f32 to vector<16xf32>
    %div3A_431 = arith.divf %div3A_430, %add3A_428 : vector<16xf32>
    %swap3A_432 = arith.constant 352 : index
    %swap3A_433 = tpu.vector_load %arg10[%swap3A_432] {strides = array<i32>} : memref<512xf32, #tpu.memory_space<vmem>>, vector<16xf32>,
    %swap3A_434 = vector.shape_cast %swap3A_433 : vector<16xf32> to vector<16xf32>
    %swap3A_435 = vector.shape_cast %div3A_431 : vector<16xf32> to vector<16xf32>
    tpu.vector_store %arg10[%swap3A_432], %swap3A_435 {strides = array<i32>} : memref<512xf32, #tpu.memory_space<vmem>>, vector<16xf32>,
    %add3A_436 = arith.addf %scan3A_329#7, %get3A_4 : vector<16xf32>
    %neg3A_437 = arith.constant 0.000000e+00 : f32
    %neg3A_438 = vector.broadcast %neg3A_437 : f32 to vector<16xf32>
    %neg3A_439 = arith.subf %neg3A_438, %add3A_436 : vector<16xf32>
    %exp3A_440 = math.exp %neg3A_439 : vector<16xf32>
    %add3A_441 = arith.constant 1.000000e+00 : f32
    %add3A_442 = vector.broadcast %add3A_441 : f32 to vector<16xf32>
    %add3A_443 = arith.addf %add3A_442, %exp3A_440 : vector<16xf32>
    %div3A_444 = arith.constant 1.000000e+00 : f32
    %div3A_445 = vector.broadcast %div3A_444 : f32 to vector<16xf32>
    %div3A_446 = arith.divf %div3A_445, %add3A_443 : vector<16xf32>
    %swap3A_447 = arith.constant 368 : index
    %swap3A_448 = tpu.vector_load %arg10[%swap3A_447] {strides = array<i32>} : memref<512xf32, #tpu.memory_space<vmem>>, vector<16xf32>,
    %swap3A_449 = vector.shape_cast %swap3A_448 : vector<16xf32> to vector<16xf32>
    %swap3A_450 = vector.shape_cast %div3A_446 : vector<16xf32> to vector<16xf32>
    tpu.vector_store %arg10[%swap3A_447], %swap3A_450 {strides = array<i32>} : memref<512xf32, #tpu.memory_space<vmem>>, vector<16xf32>,
    %dma_wait3A_451 = arith.constant 0 : i32
    %dma_wait3A_452 = tpu.memref_slice %arg2[%dma_wait3A_451] : memref<1000000xf32, #tpu.memory_space<hbm>> -> memref<1000000xf32, #tpu.memory_space<hbm>>
    tpu.wait_indirect_dma semaphore(%arg12 : memref<!tpu.dma_semaphore, #tpu.memory_space<semaphore_mem>>) src(%dma_wait3A_452 : memref<1000000xf32, #tpu.memory_space<hbm>>) dst(%arg9 : memref<25600xf32, #tpu.memory_space<vmem>>)
    %broadcast_in_dim3A_453 = arith.constant 0.000000e+00 : f32
    %broadcast_in_dim3A_454 = vector.broadcast %broadcast_in_dim3A_453 : f32 to vector<16xf32>
    %scan3A_455 = arith.constant 0 : i32
    %scan3A_456 = arith.constant 200 : i32
    %scan3A_457 = arith.addi %scan3A_455, %scan3A_456 : i32
    %scan3A_458 = arith.constant 1 : i32
    %scan3A_459:8 = scf.for %scan3A_581 = %scan3A_455 to %scan3A_457 step %scan3A_458 iter_args(%scan3A_582 = %broadcast_in_dim3A_454, %scan3A_583 = %broadcast_in_dim3A_454, %scan3A_584 = %broadcast_in_dim3A_454, %scan3A_585 = %broadcast_in_dim3A_454, %scan3A_586 = %broadcast_in_dim3A_454, %scan3A_587 = %broadcast_in_dim3A_454, %scan3A_588 = %broadcast_in_dim3A_454, %scan3A_589 = %broadcast_in_dim3A_454) -> (vector<16xf32>, vector<16xf32>, vector<16xf32>, vector<16xf32>, vector<16xf32>, vector<16xf32>, vector<16xf32>, vector<16xf32>)  : i32 {
      %mul3A_590 = arith.constant 128 : i32
      %mul3A_591 = arith.muli %scan3A_581, %mul3A_590 : i32
      %add3A_592 = arith.constant 0 : i32
      %add3A_593 = arith.addi %mul3A_591, %add3A_592 : i32
      %get3A_594 = arith.index_cast %add3A_593 : i32 to index
      %get3A_595 = tpu.vector_load %arg9[%get3A_594] {strides = array<i32>} : memref<25600xf32, #tpu.memory_space<vmem>>, vector<16xf32>,
      %get3A_596 = vector.shape_cast %get3A_595 : vector<16xf32> to vector<16xf32>
      %add3A_597 = arith.addf %scan3A_582, %get3A_596 : vector<16xf32>
      %add3A_598 = arith.constant 16 : i32
      %add3A_599 = arith.addi %mul3A_591, %add3A_598 : i32
      %get3A_600 = arith.index_cast %add3A_599 : i32 to index
      %get3A_601 = tpu.vector_load %arg9[%get3A_600] {strides = array<i32>} : memref<25600xf32, #tpu.memory_space<vmem>>, vector<16xf32>,
      %get3A_602 = vector.shape_cast %get3A_601 : vector<16xf32> to vector<16xf32>
      %add3A_603 = arith.addf %scan3A_583, %get3A_602 : vector<16xf32>
      %add3A_604 = arith.constant 32 : i32
      %add3A_605 = arith.addi %mul3A_591, %add3A_604 : i32
      %get3A_606 = arith.index_cast %add3A_605 : i32 to index
      %get3A_607 = tpu.vector_load %arg9[%get3A_606] {strides = array<i32>} : memref<25600xf32, #tpu.memory_space<vmem>>, vector<16xf32>,
      %get3A_608 = vector.shape_cast %get3A_607 : vector<16xf32> to vector<16xf32>
      %add3A_609 = arith.addf %scan3A_584, %get3A_608 : vector<16xf32>
      %add3A_610 = arith.constant 48 : i32
      %add3A_611 = arith.addi %mul3A_591, %add3A_610 : i32
      %get3A_612 = arith.index_cast %add3A_611 : i32 to index
      %get3A_613 = tpu.vector_load %arg9[%get3A_612] {strides = array<i32>} : memref<25600xf32, #tpu.memory_space<vmem>>, vector<16xf32>,
      %get3A_614 = vector.shape_cast %get3A_613 : vector<16xf32> to vector<16xf32>
      %add3A_615 = arith.addf %scan3A_585, %get3A_614 : vector<16xf32>
      %add3A_616 = arith.constant 64 : i32
      %add3A_617 = arith.addi %mul3A_591, %add3A_616 : i32
      %get3A_618 = arith.index_cast %add3A_617 : i32 to index
      %get3A_619 = tpu.vector_load %arg9[%get3A_618] {strides = array<i32>} : memref<25600xf32, #tpu.memory_space<vmem>>, vector<16xf32>,
      %get3A_620 = vector.shape_cast %get3A_619 : vector<16xf32> to vector<16xf32>
      %add3A_621 = arith.addf %scan3A_586, %get3A_620 : vector<16xf32>
      %add3A_622 = arith.constant 80 : i32
      %add3A_623 = arith.addi %mul3A_591, %add3A_622 : i32
      %get3A_624 = arith.index_cast %add3A_623 : i32 to index
      %get3A_625 = tpu.vector_load %arg9[%get3A_624] {strides = array<i32>} : memref<25600xf32, #tpu.memory_space<vmem>>, vector<16xf32>,
      %get3A_626 = vector.shape_cast %get3A_625 : vector<16xf32> to vector<16xf32>
      %add3A_627 = arith.addf %scan3A_587, %get3A_626 : vector<16xf32>
      %add3A_628 = arith.constant 96 : i32
      %add3A_629 = arith.addi %mul3A_591, %add3A_628 : i32
      %get3A_630 = arith.index_cast %add3A_629 : i32 to index
      %get3A_631 = tpu.vector_load %arg9[%get3A_630] {strides = array<i32>} : memref<25600xf32, #tpu.memory_space<vmem>>, vector<16xf32>,
      %get3A_632 = vector.shape_cast %get3A_631 : vector<16xf32> to vector<16xf32>
      %add3A_633 = arith.addf %scan3A_588, %get3A_632 : vector<16xf32>
      %add3A_634 = arith.constant 112 : i32
      %add3A_635 = arith.addi %mul3A_591, %add3A_634 : i32
      %get3A_636 = arith.index_cast %add3A_635 : i32 to index
      %get3A_637 = tpu.vector_load %arg9[%get3A_636] {strides = array<i32>} : memref<25600xf32, #tpu.memory_space<vmem>>, vector<16xf32>,
      %get3A_638 = vector.shape_cast %get3A_637 : vector<16xf32> to vector<16xf32>
      %add3A_639 = arith.addf %scan3A_589, %get3A_638 : vector<16xf32>
      scf.yield %add3A_597, %add3A_603, %add3A_609, %add3A_615, %add3A_621, %add3A_627, %add3A_633, %add3A_639 : vector<16xf32>, vector<16xf32>, vector<16xf32>, vector<16xf32>, vector<16xf32>, vector<16xf32>, vector<16xf32>, vector<16xf32>
    }
    %scan3A_460 = arith.constant 200 : i32
    %add3A_461 = arith.addf %scan3A_459#0, %get3A_4 : vector<16xf32>
    %neg3A_462 = arith.constant 0.000000e+00 : f32
    %neg3A_463 = vector.broadcast %neg3A_462 : f32 to vector<16xf32>
    %neg3A_464 = arith.subf %neg3A_463, %add3A_461 : vector<16xf32>
    %exp3A_465 = math.exp %neg3A_464 : vector<16xf32>
    %add3A_466 = arith.constant 1.000000e+00 : f32
    %add3A_467 = vector.broadcast %add3A_466 : f32 to vector<16xf32>
    %add3A_468 = arith.addf %add3A_467, %exp3A_465 : vector<16xf32>
    %div3A_469 = arith.constant 1.000000e+00 : f32
    %div3A_470 = vector.broadcast %div3A_469 : f32 to vector<16xf32>
    %div3A_471 = arith.divf %div3A_470, %add3A_468 : vector<16xf32>
    %swap3A_472 = arith.constant 384 : index
    %swap3A_473 = tpu.vector_load %arg10[%swap3A_472] {strides = array<i32>} : memref<512xf32, #tpu.memory_space<vmem>>, vector<16xf32>,
    %swap3A_474 = vector.shape_cast %swap3A_473 : vector<16xf32> to vector<16xf32>
    %swap3A_475 = vector.shape_cast %div3A_471 : vector<16xf32> to vector<16xf32>
    tpu.vector_store %arg10[%swap3A_472], %swap3A_475 {strides = array<i32>} : memref<512xf32, #tpu.memory_space<vmem>>, vector<16xf32>,
    %add3A_476 = arith.addf %scan3A_459#1, %get3A_4 : vector<16xf32>
    %neg3A_477 = arith.constant 0.000000e+00 : f32
    %neg3A_478 = vector.broadcast %neg3A_477 : f32 to vector<16xf32>
    %neg3A_479 = arith.subf %neg3A_478, %add3A_476 : vector<16xf32>
    %exp3A_480 = math.exp %neg3A_479 : vector<16xf32>
    %add3A_481 = arith.constant 1.000000e+00 : f32
    %add3A_482 = vector.broadcast %add3A_481 : f32 to vector<16xf32>
    %add3A_483 = arith.addf %add3A_482, %exp3A_480 : vector<16xf32>
    %div3A_484 = arith.constant 1.000000e+00 : f32
    %div3A_485 = vector.broadcast %div3A_484 : f32 to vector<16xf32>
    %div3A_486 = arith.divf %div3A_485, %add3A_483 : vector<16xf32>
    %swap3A_487 = arith.constant 400 : index
    %swap3A_488 = tpu.vector_load %arg10[%swap3A_487] {strides = array<i32>} : memref<512xf32, #tpu.memory_space<vmem>>, vector<16xf32>,
    %swap3A_489 = vector.shape_cast %swap3A_488 : vector<16xf32> to vector<16xf32>
    %swap3A_490 = vector.shape_cast %div3A_486 : vector<16xf32> to vector<16xf32>
    tpu.vector_store %arg10[%swap3A_487], %swap3A_490 {strides = array<i32>} : memref<512xf32, #tpu.memory_space<vmem>>, vector<16xf32>,
    %add3A_491 = arith.addf %scan3A_459#2, %get3A_4 : vector<16xf32>
    %neg3A_492 = arith.constant 0.000000e+00 : f32
    %neg3A_493 = vector.broadcast %neg3A_492 : f32 to vector<16xf32>
    %neg3A_494 = arith.subf %neg3A_493, %add3A_491 : vector<16xf32>
    %exp3A_495 = math.exp %neg3A_494 : vector<16xf32>
    %add3A_496 = arith.constant 1.000000e+00 : f32
    %add3A_497 = vector.broadcast %add3A_496 : f32 to vector<16xf32>
    %add3A_498 = arith.addf %add3A_497, %exp3A_495 : vector<16xf32>
    %div3A_499 = arith.constant 1.000000e+00 : f32
    %div3A_500 = vector.broadcast %div3A_499 : f32 to vector<16xf32>
    %div3A_501 = arith.divf %div3A_500, %add3A_498 : vector<16xf32>
    %swap3A_502 = arith.constant 416 : index
    %swap3A_503 = tpu.vector_load %arg10[%swap3A_502] {strides = array<i32>} : memref<512xf32, #tpu.memory_space<vmem>>, vector<16xf32>,
    %swap3A_504 = vector.shape_cast %swap3A_503 : vector<16xf32> to vector<16xf32>
    %swap3A_505 = vector.shape_cast %div3A_501 : vector<16xf32> to vector<16xf32>
    tpu.vector_store %arg10[%swap3A_502], %swap3A_505 {strides = array<i32>} : memref<512xf32, #tpu.memory_space<vmem>>, vector<16xf32>,
    %add3A_506 = arith.addf %scan3A_459#3, %get3A_4 : vector<16xf32>
    %neg3A_507 = arith.constant 0.000000e+00 : f32
    %neg3A_508 = vector.broadcast %neg3A_507 : f32 to vector<16xf32>
    %neg3A_509 = arith.subf %neg3A_508, %add3A_506 : vector<16xf32>
    %exp3A_510 = math.exp %neg3A_509 : vector<16xf32>
    %add3A_511 = arith.constant 1.000000e+00 : f32
    %add3A_512 = vector.broadcast %add3A_511 : f32 to vector<16xf32>
    %add3A_513 = arith.addf %add3A_512, %exp3A_510 : vector<16xf32>
    %div3A_514 = arith.constant 1.000000e+00 : f32
    %div3A_515 = vector.broadcast %div3A_514 : f32 to vector<16xf32>
    %div3A_516 = arith.divf %div3A_515, %add3A_513 : vector<16xf32>
    %swap3A_517 = arith.constant 432 : index
    %swap3A_518 = tpu.vector_load %arg10[%swap3A_517] {strides = array<i32>} : memref<512xf32, #tpu.memory_space<vmem>>, vector<16xf32>,
    %swap3A_519 = vector.shape_cast %swap3A_518 : vector<16xf32> to vector<16xf32>
    %swap3A_520 = vector.shape_cast %div3A_516 : vector<16xf32> to vector<16xf32>
    tpu.vector_store %arg10[%swap3A_517], %swap3A_520 {strides = array<i32>} : memref<512xf32, #tpu.memory_space<vmem>>, vector<16xf32>,
    %add3A_521 = arith.addf %scan3A_459#4, %get3A_4 : vector<16xf32>
    %neg3A_522 = arith.constant 0.000000e+00 : f32
    %neg3A_523 = vector.broadcast %neg3A_522 : f32 to vector<16xf32>
    %neg3A_524 = arith.subf %neg3A_523, %add3A_521 : vector<16xf32>
    %exp3A_525 = math.exp %neg3A_524 : vector<16xf32>
    %add3A_526 = arith.constant 1.000000e+00 : f32
    %add3A_527 = vector.broadcast %add3A_526 : f32 to vector<16xf32>
    %add3A_528 = arith.addf %add3A_527, %exp3A_525 : vector<16xf32>
    %div3A_529 = arith.constant 1.000000e+00 : f32
    %div3A_530 = vector.broadcast %div3A_529 : f32 to vector<16xf32>
    %div3A_531 = arith.divf %div3A_530, %add3A_528 : vector<16xf32>
    %swap3A_532 = arith.constant 448 : index
    %swap3A_533 = tpu.vector_load %arg10[%swap3A_532] {strides = array<i32>} : memref<512xf32, #tpu.memory_space<vmem>>, vector<16xf32>,
    %swap3A_534 = vector.shape_cast %swap3A_533 : vector<16xf32> to vector<16xf32>
    %swap3A_535 = vector.shape_cast %div3A_531 : vector<16xf32> to vector<16xf32>
    tpu.vector_store %arg10[%swap3A_532], %swap3A_535 {strides = array<i32>} : memref<512xf32, #tpu.memory_space<vmem>>, vector<16xf32>,
    %add3A_536 = arith.addf %scan3A_459#5, %get3A_4 : vector<16xf32>
    %neg3A_537 = arith.constant 0.000000e+00 : f32
    %neg3A_538 = vector.broadcast %neg3A_537 : f32 to vector<16xf32>
    %neg3A_539 = arith.subf %neg3A_538, %add3A_536 : vector<16xf32>
    %exp3A_540 = math.exp %neg3A_539 : vector<16xf32>
    %add3A_541 = arith.constant 1.000000e+00 : f32
    %add3A_542 = vector.broadcast %add3A_541 : f32 to vector<16xf32>
    %add3A_543 = arith.addf %add3A_542, %exp3A_540 : vector<16xf32>
    %div3A_544 = arith.constant 1.000000e+00 : f32
    %div3A_545 = vector.broadcast %div3A_544 : f32 to vector<16xf32>
    %div3A_546 = arith.divf %div3A_545, %add3A_543 : vector<16xf32>
    %swap3A_547 = arith.constant 464 : index
    %swap3A_548 = tpu.vector_load %arg10[%swap3A_547] {strides = array<i32>} : memref<512xf32, #tpu.memory_space<vmem>>, vector<16xf32>,
    %swap3A_549 = vector.shape_cast %swap3A_548 : vector<16xf32> to vector<16xf32>
    %swap3A_550 = vector.shape_cast %div3A_546 : vector<16xf32> to vector<16xf32>
    tpu.vector_store %arg10[%swap3A_547], %swap3A_550 {strides = array<i32>} : memref<512xf32, #tpu.memory_space<vmem>>, vector<16xf32>,
    %add3A_551 = arith.addf %scan3A_459#6, %get3A_4 : vector<16xf32>
    %neg3A_552 = arith.constant 0.000000e+00 : f32
    %neg3A_553 = vector.broadcast %neg3A_552 : f32 to vector<16xf32>
    %neg3A_554 = arith.subf %neg3A_553, %add3A_551 : vector<16xf32>
    %exp3A_555 = math.exp %neg3A_554 : vector<16xf32>
    %add3A_556 = arith.constant 1.000000e+00 : f32
    %add3A_557 = vector.broadcast %add3A_556 : f32 to vector<16xf32>
    %add3A_558 = arith.addf %add3A_557, %exp3A_555 : vector<16xf32>
    %div3A_559 = arith.constant 1.000000e+00 : f32
    %div3A_560 = vector.broadcast %div3A_559 : f32 to vector<16xf32>
    %div3A_561 = arith.divf %div3A_560, %add3A_558 : vector<16xf32>
    %swap3A_562 = arith.constant 480 : index
    %swap3A_563 = tpu.vector_load %arg10[%swap3A_562] {strides = array<i32>} : memref<512xf32, #tpu.memory_space<vmem>>, vector<16xf32>,
    %swap3A_564 = vector.shape_cast %swap3A_563 : vector<16xf32> to vector<16xf32>
    %swap3A_565 = vector.shape_cast %div3A_561 : vector<16xf32> to vector<16xf32>
    tpu.vector_store %arg10[%swap3A_562], %swap3A_565 {strides = array<i32>} : memref<512xf32, #tpu.memory_space<vmem>>, vector<16xf32>,
    %add3A_566 = arith.addf %scan3A_459#7, %get3A_4 : vector<16xf32>
    %neg3A_567 = arith.constant 0.000000e+00 : f32
    %neg3A_568 = vector.broadcast %neg3A_567 : f32 to vector<16xf32>
    %neg3A_569 = arith.subf %neg3A_568, %add3A_566 : vector<16xf32>
    %exp3A_570 = math.exp %neg3A_569 : vector<16xf32>
    %add3A_571 = arith.constant 1.000000e+00 : f32
    %add3A_572 = vector.broadcast %add3A_571 : f32 to vector<16xf32>
    %add3A_573 = arith.addf %add3A_572, %exp3A_570 : vector<16xf32>
    %div3A_574 = arith.constant 1.000000e+00 : f32
    %div3A_575 = vector.broadcast %div3A_574 : f32 to vector<16xf32>
    %div3A_576 = arith.divf %div3A_575, %add3A_573 : vector<16xf32>
    %swap3A_577 = arith.constant 496 : index
    %swap3A_578 = tpu.vector_load %arg10[%swap3A_577] {strides = array<i32>} : memref<512xf32, #tpu.memory_space<vmem>>, vector<16xf32>,
    %swap3A_579 = vector.shape_cast %swap3A_578 : vector<16xf32> to vector<16xf32>
    %swap3A_580 = vector.shape_cast %div3A_576 : vector<16xf32> to vector<16xf32>
    tpu.vector_store %arg10[%swap3A_577], %swap3A_580 {strides = array<i32>} : memref<512xf32, #tpu.memory_space<vmem>>, vector<16xf32>,
    "tpu.region"() ({
      %run_scoped3A = tpu.sem_alloc : memref<!tpu.dma_semaphore, #tpu.memory_space<semaphore_mem>>
      %dma_start3A_581 = tpu.memref_slice %arg5[%mul3A_2] : memref<16384xf32, #tpu.memory_space<hbm>> -> memref<512xf32, #tpu.memory_space<hbm>>
      %dma_start3A_582 = tpu.memref_slice %arg5[%mul3A_2] : memref<16384xf32, #tpu.memory_space<hbm>> -> memref<512xf32, #tpu.memory_space<hbm>>
      tpu.enqueue_dma source(%arg10 : memref<512xf32, #tpu.memory_space<vmem>>) target(%dma_start3A_582 : memref<512xf32, #tpu.memory_space<hbm>>) target_semaphore(%run_scoped3A : memref<!tpu.dma_semaphore, #tpu.memory_space<semaphore_mem>>)
      %dma_wait3A_583 = tpu.memref_slice %arg5[%mul3A_2] : memref<16384xf32, #tpu.memory_space<hbm>> -> memref<512xf32, #tpu.memory_space<hbm>>
      %dma_wait3A_584 = tpu.memref_slice %arg5[%mul3A_2] : memref<16384xf32, #tpu.memory_space<hbm>> -> memref<512xf32, #tpu.memory_space<hbm>>
      tpu.wait_dma2 semaphore(%run_scoped3A : memref<!tpu.dma_semaphore, #tpu.memory_space<semaphore_mem>>) src(%arg10 : memref<512xf32, #tpu.memory_space<vmem>>) dst(%dma_wait3A_584 : memref<512xf32, #tpu.memory_space<hbm>>)
      tpu.yield
    }) : () -> ()
    return
  }
}

module attributes {stable_mosaic.version = 14 : i64} {
  func.func @_score_body(%arg0: i32, %arg1: memref<32x65536xf32, #tpu.memory_space<vmem>>, %arg2: memref<32x1xf32, #tpu.memory_space<vmem>>, %arg3: memref<65536xf32, #tpu.memory_space<vmem>>) attributes {dimension_semantics = [#tpu.dimension_semantics<arbitrary>], iteration_bounds = array<i64: 16>, scalar_prefetch = 0 : i64, scratch_operands = 0 : i64, tpu.core_type = #tpu.core_type<tc>, window_params = [{transform_indices = @transform_0, window_bounds = array<i64: 32, 65536>}, {pipeline_mode = #tpu.pipeline_mode<synchronous>, transform_indices = @transform_1, window_bounds = array<i64: 32, 1>}, {transform_indices = @transform_2, window_bounds = array<i64: 65536>}]} {
    %get3A = arith.constant 0 : index
    %get3A_0 = arith.constant 0 : index
    %get3A_1 = vector.load %arg1[%get3A, %get3A_0] : memref<32x65536xf32, #tpu.memory_space<vmem>>, vector<32x65536xf32>
    %get3A_2 = arith.constant 0 : index
    %get3A_3 = arith.constant 0 : index
    %get3A_4 = vector.load %arg2[%get3A_2, %get3A_3] : memref<32x1xf32, #tpu.memory_space<vmem>>, vector<32x1xf32>
    %mul3A = vector.broadcast %get3A_4 : vector<32x1xf32> to vector<32x65536xf32>
    %mul3A_5 = arith.mulf %get3A_1, %mul3A : vector<32x65536xf32>
    %reduce_sum3A = arith.constant dense<0.000000e+00> : vector<65536xf32>
    %reduce_sum3A_6 = vector.multi_reduction <add>, %mul3A_5, %reduce_sum3A [0] : vector<32x65536xf32> to vector<65536xf32>
    %broadcast_in_dim3A = vector.shape_cast %reduce_sum3A_6 : vector<65536xf32> to vector<1x65536xf32>
    %iota3A = tpu.iota {dimensions = array<i32: 1>} : vector<1x65536xi32>
    %eq3A = arith.constant 0 : i32
    %eq3A_7 = arith.cmpi eq, %arg0, %eq3A : i32
    %eq3A_8 = arith.constant 0 : i32
    %eq3A_9 = vector.broadcast %eq3A_8 : i32 to vector<1x65536xi32>
    %eq3A_10 = arith.cmpi eq, %iota3A, %eq3A_9 : vector<1x65536xi32>
    %and3A = vector.broadcast %eq3A_7 : i1 to vector<1x65536xi1>
    %and3A_11 = arith.andi %and3A, %eq3A_10 : vector<1x65536xi1>
    %jit3A = arith.constant 0.000000e+00 : f32
    %broadcast_in_dim3A_12 = vector.broadcast %jit3A : f32 to vector<1x65536xf32>
    %select_n3A = arith.select %and3A_11, %broadcast_in_dim3A_12, %broadcast_in_dim3A : vector<1x65536xi1>, vector<1x65536xf32>
    %reshape3A = vector.shape_cast %select_n3A : vector<1x65536xf32> to vector<65536xf32>
    %swap3A = arith.constant 0 : index
    %swap3A_13 = vector.load %arg3[%swap3A] : memref<65536xf32, #tpu.memory_space<vmem>>, vector<65536xf32>
    tpu.vector_store %arg3[%swap3A], %reshape3A {strides = array<i32>} : memref<65536xf32, #tpu.memory_space<vmem>>, vector<65536xf32>,
    return
  }
  func.func @transform_0(%arg0: i32) -> (i32, i32) {
    %c0_i32 = arith.constant 0 : i32
    %c0_i32_0 = arith.constant 0 : i32
    return %c0_i32, %arg0 : i32, i32
  }
  func.func @transform_1(%arg0: i32) -> (i32, i32) {
    %c0_i32 = arith.constant 0 : i32
    %c0_i32_0 = arith.constant 0 : i32
    %c0_i32_1 = arith.constant 0 : i32
    return %c0_i32, %c0_i32_0 : i32, i32
  }
  func.func @transform_2(%arg0: i32) -> i32 {
    %c0_i32 = arith.constant 0 : i32
    return %arg0 : i32
  }
}

</mosaic_0001>

<sc_bundles>
// kernel: kernel.4.cloned.1.call-start
scs
__scs_entry_jumppad:
0x0: {  	(pc) =	sbr.rel $0x88, $3  }
0x1: {  	(tag) =	ssettag $0x0;
	lr =	simm.s32 $0x1  }
0x2: {  	[smem:$0x3F9D] =	sst lr;
	_ =	strace $0xD0000000  }
0x3: {  	_ = 	snop  }
0x4: {  	_ = 	snop  }
0x5: {  	_ = 	snop  }
0x6: {  	_ = 	snop  }
0x7: {  	_ = 	snop  }
__scs_overlays_trampoline_lowered:
0x8: {  	[smem:$0x3FAC] =	sst s0  }
0x9: {  	[smem:$0x3FAD] =	sst s1  }
0xa: {  	[smem:$0x3FAE] =	sst s2  }
0xb: {  	[smem:$0x3FAF] =	sst s3  }
0xc: {  	[smem:$0x3FB0] =	sst s4  }
0xd: {  	[smem:$0x3FB1] =	sst s5  }
0xe: {  	[smem:$0x3FB2] =	sst s6  }
0xf: {  	[smem:$0x3FB3] =	sst s7  }
0x10: {  	[smem:$0x3FB4] =	sst s8  }
0x11: {  	[smem:$0x3FB5] =	sst s9;
	s0 =	simm.s32 @!p0 $0x0  }
0x12: {  	s1 =	sld [smem:$0x3F9B];
	s0 =	simm.s32 @p0 $0x1  }
0x13: {  	[smem:$0x3FB6] =	sst s0;
	s0 =	simm.s32 @!p1 $0x0  }
0x14: {  	s2 =	sld [smem:$0x3F9A];
	s0 =	simm.s32 @p1 $0x1  }
0x15: {  	[smem:$0x3FB7] =	sst s0;
	s0 =	simm.s32 @!p2 $0x0  }
0x16: {  	s3 =	sld [smem:$0x3FDB];
	s0 =	simm.s32 @p2 $0x1  }
0x17: {  	s4 =	simm.s32 $0x1BF5;
	[smem:$0x3FB9] =	sst s0  }
0x18: {  	s0 =	sld [smem:$0x3F9C];
	_ =	swait.ge [sflag:s4], $0x0  }
0x19: {  	s7 =	sld [smem:$0x3F9D]  }
0x1a: {  	s8 =	sadd.s32 $0xFFFFE003, lr  }
0x1b: {  	s9 =	sadd.s32 $0xFFFFFEF7, lr;
	s5 =	simm.s32 $0xFFFFFFFF;
	p2 =	slt.u32 s8, $0xFFFFF086  }
0x1c: {  	p1 =	slt.u32 s9, $0xF7A;
	s5 =	simm.s32 @!p2 $0x0  }
0x1d: {  	s5 =	simm.s32 @p1 $0x1;
	p0 =	seq.s32 s7, s2  }
0x1e: {  	s7 =	smul.u32 @!p0 $0xF7A, s2;
	p2 =	seq.s32 @!p0 s5, $0x0  }
0x1f: {  	s9 =	smul.u32 $0xF7A, s1;
	s8 =	simm.s32 @!p0 $0x1BF5;
	p2 =	por !p2, p0  }
0x20: {  	[sflag:s8] =	ssyncset.s32 @!p0 $0xFFFFF086;
	s6 =	sadd.s32 @!p0 s3, s7;
	s7 =	simm.s32 @!p0 $0x108  }
0x21: {  	s3 =	sadd.s32 s3, s9;
	s6 =	sadd.s32 @!p0 $0x88, s6;
	s7 =	simm.s32 @p2 $0x1082  }
0x22: {  	[simem:s7], [sflag:s8] =	dma.local @!p0 [hbm:s6], $0xF7A  }
0x23: {  	s9 =	sor.u32 $0xD0000000, s2;
	s6 =	simm.s32 $0x108;
	_ =	swait.ge @!p0 [sflag:s8], $0x0  }
0x24: {  	s3 =	sadd.s32 $0x88, s3;
	s6 =	simm.s32 @!p1 $0x1082;
	[sflag:s4] =	ssyncset.s32 $0xFFFFF086  }
0x25: {  	[simem:s6], [sflag:s4] =	dma.local [hbm:s3], $0xF7A  }
0x26: {  	[smem:$0x3F9D] =	sst s1;
	(tag) =	ssettag s2;
	_ =	strace s9  }
0x27: {  	s1 =	sld [smem:$0x3FAD]  }
0x28: {  	s2 =	sld [smem:$0x3FAE]  }
0x29: {  	s4 =	sld [smem:$0x3FB0]  }
0x2a: {  	p0 =	seq.s32 s5, $0x0;
	s5 =	sld [smem:$0x3FB1]  }
0x2b: {  	s6 =	sld [smem:$0x3FB2]  }
0x2c: {  	s7 =	sld [smem:$0x3FB3]  }
0x2d: {  	s3 =	simm.s32 $0x108;
	s8 =	sld [smem:$0x3FB4]  }
0x2e: {  	s3 =	simm.s32 @!p0 $0x1082;
	s9 =	sld [smem:$0x3FB5]  }
0x2f: {  	lr =	sadd.s32 s0, s3;
	s0 =	sld [smem:$0x3FAC]  }
0x30: {  	s3 =	sld [smem:$0x3FAF]  }
0x31: {  	[smem:$0x3FB8] =	sst s10  }
0x32: {  	s10 =	sld [smem:$0x3FB6];
	_ =	sdelay $0x3  }
0x33: {  	p0 =	seq.s32 s10, $0x1;
	s10 =	sld [smem:$0x3FB8];
	_ =	sdelay $0x3  }
0x34: {  	[smem:$0x3FB8] =	sst s10  }
0x35: {  	s10 =	sld [smem:$0x3FB7];
	_ =	sdelay $0x3  }
0x36: {  	p1 =	seq.s32 s10, $0x1;
	s10 =	sld [smem:$0x3FB8];
	_ =	sdelay $0x3  }
0x37: {  	[smem:$0x3FB8] =	sst s10  }
0x38: {  	s10 =	sld [smem:$0x3FB9]  }
0x39: {  	_ = 	snop;
	(pc) =	sbr.ind lr, $3  }
0x3a: {  	_ = 	snop  }
0x3b: {  	_ = 	snop  }
0x3c: {  	p2 =	seq.s32 s10, $0x1;
	s10 =	sld [smem:$0x3FB8]  }
0x3d: {  	_ =	shalt  }
0x3e: {  	_ =	shalt  }
0x3f: {  	_ =	shalt  }
0x40: {  	_ =	shalt  }
0x41: {  	_ =	shalt  }
0x42: {  	_ =	shalt  }
0x43: {  	_ =	shalt  }
0x44: {  	_ =	shalt  }
0x45: {  	_ =	shalt  }
0x46: {  	_ =	shalt  }
0x47: {  	_ =	shalt  }
0x48: {  	_ =	shalt  }
0x49: {  	_ =	shalt  }
0x4a: {  	_ =	shalt  }
0x4b: {  	_ =	shalt  }
0x4c: {  	_ =	shalt  }
0x4d: {  	_ =	shalt  }
0x4e: {  	_ =	shalt  }
0x4f: {  	_ =	shalt  }
0x50: {  	_ =	shalt  }
0x51: {  	_ =	shalt  }
0x52: {  	_ =	shalt  }
0x53: {  	_ =	shalt  }
0x54: {  	_ =	shalt  }
0x55: {  	_ =	shalt  }
0x56: {  	_ =	shalt  }
0x57: {  	_ =	shalt  }
0x58: {  	_ =	shalt  }
0x59: {  	_ =	shalt  }
0x5a: {  	_ =	shalt  }
0x5b: {  	_ =	shalt  }
0x5c: {  	_ =	shalt  }
0x5d: {  	_ =	shalt  }
0x5e: {  	_ =	shalt  }
0x5f: {  	_ =	shalt  }
0x60: {  	_ =	shalt  }
0x61: {  	_ =	shalt  }
0x62: {  	_ =	shalt  }
0x63: {  	_ =	shalt  }
0x64: {  	_ =	shalt  }
0x65: {  	_ =	shalt  }
0x66: {  	_ =	shalt  }
0x67: {  	_ =	shalt  }
0x68: {  	_ =	shalt  }
0x69: {  	_ =	shalt  }
0x6a: {  	_ =	shalt  }
0x6b: {  	_ =	shalt  }
0x6c: {  	_ =	shalt  }
0x6d: {  	_ =	shalt  }
0x6e: {  	_ =	shalt  }
0x6f: {  	_ =	shalt  }
0x70: {  	_ =	shalt  }
0x71: {  	_ =	shalt  }
0x72: {  	_ =	shalt  }
0x73: {  	_ =	shalt  }
0x74: {  	_ =	shalt  }
0x75: {  	_ =	shalt  }
0x76: {  	_ =	shalt  }
0x77: {  	_ =	shalt  }
0x78: {  	_ =	shalt  }
0x79: {  	_ =	shalt  }
0x7a: {  	_ =	shalt  }
0x7b: {  	_ =	shalt  }
0x7c: {  	_ =	shalt  }
0x7d: {  	_ =	shalt  }
0x7e: {  	_ =	shalt  }
0x7f: {  	_ =	shalt  }
0x80: {  	_ =	shalt  }
0x81: {  	_ =	shalt  }
0x82: {  	_ =	shalt  }
0x83: {  	_ =	shalt  }
0x84: {  	_ =	shalt  }
0x85: {  	_ =	shalt  }
0x86: {  	_ =	shalt  }
0x87: {  	_ =	shalt  }
.Lfunc_end0:
.L_simem_size_0:
called_computation_lowered:
.L_overlay_start_0:
0x88: {  	s2 =	sld [smem:$0x3FD9]  }
0x89: {  	s3 =	sld [smem:$0x3FFE];
	_ =	sdelay $0x1  }
0x8a: {  	s1 =	srdreg.scid  }
0x8b: {  	s0 =	sand.u32 $0x1, s1  }
0x8c: {  	s17 =	sshll.u32 s0, $0xA;
	s2 =	sadd.s32 s3, s2  }
0x8d: {  	s2 =	sadd.s32 s2, s17  }
0x8e: {  	[smem:$0x3FC4] =	sst s2  }
0x8f: {  	_ = 	snop  }
0x90: {  	s2 =	sld [smem:$0x3FC9]  }
0x91: {  	s18 =	sld [smem:$0x3FD0];
	(tm) =	ssettm $0x1  }
0x92: {  	s4 =	sld [smem:$0x3FFB];
	_ =	sdelay $0x3  }
0x93: {  	_ =	strace s4  }
0x94: {  	s4 =	sld [smem:$0x3FFC];
	_ =	sdelay $0x3  }
0x95: {  	_ =	strace s4  }
0x96: {  	s4 =	sld [smem:$0x3FFD];
	_ =	sdelay $0x3  }
0x97: {  	_ =	strace s4  }
0x98: {  	_ =	strace $0x8FFFFFFF  }
0x99: {  	s19 =	sld [smem:$0x3FDB];
	_ =	sdelay $0x1  }
0x9a: {  	s5 =	simm.s32 $_scs_section_size  }
0x9b: {  	s6 =	simm.s32 $_size__tile_overlayer_lowered;
	s7 =	simm.s32 $_tile_overlayer_lowered  }
0x9c: {  	s22 =	simm.s32 $0x1BFF;
	s21 =	sshll.u32 s7, $0x1;
	s4 =	sadd.s32 s5, s19  }
0x9d: {  	s8 =	simm.s32 $0x0;
	s20 =	sshll.u32 s6, $0x1;
	s6 =	sadd.s32 s21, s4  }
0x9e: {  	[timem:s8], [sflag:s22] =	dma.local [hbm:s6], s20  }
0x9f: {  	_ =	swait.ge [sflag:s22], s20  }
0xa0: {  	s5 =	ssub.s32 $0x0, s20;
	[sflag:s22] =	ssyncset.done $0x0  }
0xa1: {  	[sflag:s22] =	ssyncadd.s32 s5;
	_ =	sdelay $0x1  }
0xa2: {  	s23 =	simm.s32 $0x1B8B  }
0xa3: {  	_ =	swait.ge [sflag:s23], $0x1  }
0xa4: {  	[sflag:s23] =	ssyncset.done $0x0  }
0xa5: {  	s25 =	simm.s32 $0x1B8E;
	s24 =	sld [smem:$0x3FFE];
	[sflag:s23] =	ssyncadd.s32 $0xFFFFFFFF  }
0xa6: {  	s26 =	simm.s32 $execute0_lowered;
	[smem:$0x3FD2] =	sst s25  }
0xa7: {  	s6 =	sshll.u32 s26, $0x1;
	_ =	strace $0x80000046;
	[dreg:$0x1] =	wrdreg $0xFFFFFFFF  }
0xa8: {  	s28 =	simm.s32 $_size_execute0_lowered;
	s4 =	sadd.s32 s4, s6;
	[dreg:$0x0] =	wrdreg $0x0  }
0xa9: {  	s6 =	sshll.u32 s28, $0x1;
	[dreg:$0x2] =	wrdreg s4  }
0xaa: {  	[dreg:$0x3] =	wrdreg s6  }
0xab: {  	[dreg:$0x4] =	wrdreg $0xC0  }
0xac: {  	_ =	task [dreg:s8], $0x5FFFF  }
0xad: {  	[dreg:$0x1] =	wrdreg $0xFFFFFFFF  }
0xae: {  	[dreg:$0x0] =	wrdreg $0x60  }
0xaf: {  	[dreg:$0x2] =	wrdreg s24  }
0xb0: {  	[dreg:$0x3] =	wrdreg s2  }
0xb1: {  	[dreg:$0x4] =	wrdreg s18  }
0xb2: {  	[dreg:$0x5] =	wrdreg $0x9  }
0xb3: {  	_ =	task.clear_ibuf [dreg:s8], $0x6FFFF;
	_ =	strace $0x90000046  }
0xb4: {  	s29 =	simm.s32 $0x9;
	_ =	strace $0x80000048  }
0xb5: {  	_ =	swait.ge [sflag:s29], $0x1  }
0xb6: {  	[sflag:s29] =	ssyncadd.s32 $0xFFFFFFFF  }
0xb7: {  	_ =	strace $0x90000048  }
0xb8: {  	_ =	sfence  }
0xb9: {  	s30 =	sld [smem:$0x0];
	_ =	sdelay $0x2  }
0xba: {  	s31 =	sshll.u32 s1, $0xD;
	s1 =	sshrl.u32 s1, $0x2  }
0xbb: {  	s3 =	sand.u32 $0x4000, s31;
	s1 =	sadd.s32 s1, s30  }
0xbc: {  	s0 =	sor.u32 s3, s0;
	s1 =	sshll.u32 s1, $0x11  }
0xbd: {  	s0 =	sor.u32 s1, s0  }
0xbe: {  	s0 =	sadd.s32 $0x8F2B, s0  }
0xbf: {  	[sflag:s0] =	ssyncadd.remote.s32 $0x1  }
0xc0: {  	_ =	sfence.sel $0xFFFF  }
0xc1: {  	[dreg:$0x0] =	wrdreg $0xFFFFFFFF;
	(pc) =	sbr.abs _section_cstart, $3  }
0xc2: {  	[dreg:$0x1] =	wrdreg $0xFFFFFFFF  }
0xc3: {  	_ =	task.clear_ibuf [dreg:s8], $0x2FFFF;
	_ =	strace $0x9FFFFFFF  }
0xc4: {  	(tm) =	ssettm $0x7FFFFFFF  }
0xc5: {  	_ =	shalt  }
tec
execute0_lowered:
.L_overlay_start_1:
0x0: {  	(tag) =	ssettag $0x1  }
0x1: {  	s4 =	rddreg [dreg:$0x0]  }
0x2: {  	s5 =	rddreg [dreg:$0x1]  }
0x3: {  	s9 =	rddreg [dreg:$0x2]  }
0x4: {  	s0 =	rddreg [dreg:$0x3]  }
0x5: {  	s2 =	simm.s32 $0x0;
	s3 =	srdreg.scid;
	s1 =	stileid.u32  }
0x6: {  	s12 =	simm.s32 $0x3;
	s13 =	simm.s32 $0x2;
	s14 =	simm.s32 $0xC800  }
0x7: {  	s15 =	simm.s32 $0x1;
	s16 =	simm.s32 $0x6400;
	s17 =	simm.s32 $0x12C00  }
0x8: {  	s18 =	simm.s32 $0x19000;
	s19 =	simm.s32 $0x0;
	[smem:$0x7FF] =	sst s2  }
0x9: {  	s3 =	sand.u32 $0x1, s3;
	s7 =	sshll.u32 s1, $0xA;
	_ =	strace $0x80000047  }
0xa: {  	s6 =	ssub.s32 $0x2, s3;
	s8 =	sshll.u32 s3, $0x9;
	s3 =	sadd.s32 $0x600, s4  }
0xb: {  	s4 =	sadd.s32 $0x1F000, s4;
	s10 =	sshrl.u32 s6, $0x1;
	s8 =	sor.u32 s8, s7  }
0xc: {  	s10 =	ssub.s32 s6, s10;
	s5 =	sadd.s32 s5, s8;
	s11 =	sshrl.u32 s8, $0x3  }
0xd: {  	s6 =	sadd.s32 $0x80, s5;
	s7 =	sadd.s32 $0x100, s5;
	s8 =	sadd.s32 $0x180, s5  }
0xe: {  	s9 =	sadd.s32 s9, s11;
	s10 =	smax.u32 s10, $0x1;
	s11 =	simm.s32 $0x19200  }
.LBB2_1:
0xf: {  	[tilespmem:s11], [sflag:$0x3] =	stream.linear.gather [hbm4b:s4+s2], $0x80, $0x38;
	[tilespmem:$0x19280] =	vst v63  }
0x10: {  	s20 =	sand.u32 $0x7C000, s2;
	s21 =	sand.u32 $0x70, s2;
	_ =	swait.ge [sflag:s12], $0x80  }
0x11: {  	s20 =	sor.u32 s21, s20;
	[sflag:s12] =	ssyncset.done $0x0  }
0x12: {  	s20 =	sadd.s32 s20, s5;
	[sflag:s12] =	ssyncadd.s32 $0xFFFFFF80  }
0x13: {  	v0 =	vld [tilespmem:$0x19200];
	[tilespmem:s2], [sflag:$0x2] =	stream.linear.gather [hbm4b:s20+s2], $0x80, $0x38  }
0x14: {  	s22 =	simm.s32 $0x0;
	s21 =	simm.s32 $0x0;
	s20 =	simm.s32 $0x800  }
.LBB2_2:
0x15: {  	p0 =	sne.s32 s20, $0x63800  }
.Ltmp0:
0x16: {  	s23 =	sand.u32 $0x7C000, s20;
	s21 =	sadd.s32 $0x10, s21;
	(pc) =	sbr.rel @p0 .LBB2_2-.Ltmp0, $4  }
0x17: {  	s20 =	sadd.s32 $0x800, s20;
	s24 =	sand.u32 $0x70, s21  }
0x18: {  	s23 =	sor.u32 s24, s23  }
0x19: {  	s22 =	sadd.s32 $0x80, s22;
	s23 =	sadd.s32 s23, s5  }
0x1a: {  	[tilespmem:s22], [sflag:$0x2] =	stream.linear.gather [hbm4b:s23+s2], $0x80, $0x38;
	[tilespmem:$0x19280] =	vst v63  }
0x1b: {  	_ =	swait.ge [sflag:s13], $0x80  }
0x1c: {  	s20 =	simm.s32 $0xC7;
	[sflag:s13] =	ssyncset.done $0x0  }
.LBB2_4:
0x1d: {  	p0 =	sne.s32 s20, $0x1;
	s20 =	sadd.s32 $0xFFFFFFFF, s20;
	[sflag:s13] =	ssyncadd.s32 $0xFFFFFF80  }
.Ltmp1:
0x1e: {  	(pc) =	sbr.rel @p0 .LBB2_4-.Ltmp1, $3  }
0x1f: {  	_ =	sdelay $0x1  }
0x20: {  	_ =	swait.ge [sflag:s13], $0x80  }
0x21: {  	[sflag:s13] =	ssyncset.done $0x0  }
0x22: {  	[sflag:s13] =	ssyncadd.s32 $0xFFFFFF80;
	s20 =	simm.s32 $0x6400;
	s21 =	simm.s32 $0x0  }
0x23: {  	[tilespmem:s14], [sflag:$0x1] =	stream.indirect.gather [hbm4b:s3+s20], $0x1, s21, s20, $0xb8;
	[tilespmem:$0x19280] =	vst v63  }
0x24: {  	s22 =	sand.u32 $0x7C000, s21  }
0x25: {  	s21 =	sand.u32 $0x70, s21;
	s22 =	sadd.s32 s22, s6  }
0x26: {  	s21 =	sadd.s32 s21, s22  }
0x27: {  	[tilespmem:s20], [sflag:$0x2] =	stream.linear.gather [hbm4b:s21+s2], $0x80, $0x38;
	[tilespmem:$0x19280] =	vst v63  }
0x28: {  	s22 =	simm.s32 $0x10;
	s21 =	simm.s32 $0x800  }
.LBB2_6:
0x29: {  	s23 =	sand.u32 $0x7C000, s21;
	p0 =	sne.s32 s21, $0x63800;
	s21 =	sadd.s32 $0x800, s21  }
.Ltmp2:
0x2a: {  	s24 =	sand.u32 $0x70, s22;
	s23 =	sadd.s32 s23, s6;
	(pc) =	sbr.rel @p0 .LBB2_6-.Ltmp2, $4  }
0x2b: {  	s20 =	sadd.s32 $0x80, s20;
	s23 =	sadd.s32 s24, s23  }
0x2c: {  	[tilespmem:s20], [sflag:$0x2] =	stream.linear.gather [hbm4b:s23+s2], $0x80, $0x38;
	[tilespmem:$0x19280] =	vst v63  }
0x2d: {  	_ = 	snop  }
0x2e: {  	s22 =	sadd.s32 $0x10, s22  }
0x2f: {  	_ =	swait.ge [sflag:s13], $0x80  }
0x30: {  	s20 =	simm.s32 $0xC7;
	[sflag:s13] =	ssyncset.done $0x0  }
.LBB2_8:
0x31: {  	p0 =	sne.s32 s20, $0x1;
	s20 =	sadd.s32 $0xFFFFFFFF, s20;
	[sflag:s13] =	ssyncadd.s32 $0xFFFFFF80  }
.Ltmp3:
0x32: {  	(pc) =	sbr.rel @p0 .LBB2_8-.Ltmp3, $3  }
0x33: {  	_ =	sdelay $0x1  }
0x34: {  	_ =	swait.ge [sflag:s13], $0x80  }
0x35: {  	[sflag:s13] =	ssyncset.done $0x0  }
0x36: {  	[sflag:s13] =	ssyncadd.s32 $0xFFFFFF80  }
0x37: {  	s20 =	simm.s32 $0x0;
	_ =	swait.ge [sflag:s15], $0x6400  }
0x38: {  	s21 =	sand.u32 $0x7C000, s20;
	[sflag:s15] =	ssyncset.done $0x0  }
0x39: {  	s22 =	sand.u32 $0x70, s20;
	s21 =	sadd.s32 s21, s7;
	[sflag:s15] =	ssyncadd.s32 $0xFFFF9C00  }
0x3a: {  	[tilespmem:s17], [sflag:$0x1] =	stream.indirect.gather [hbm4b:s3+s16], $0x1, s16, s16, $0xb8;
	[tilespmem:$0x19280] =	vst v63  }
0x3b: {  	s21 =	sadd.s32 s22, s21  }
0x3c: {  	[tilespmem:s20], [sflag:$0x2] =	stream.linear.gather [hbm4b:s21+s2], $0x80, $0x38;
	[tilespmem:$0x19280] =	vst v63  }
0x3d: {  	s22 =	simm.s32 $0x10;
	s21 =	simm.s32 $0x800  }
.LBB2_10:
0x3e: {  	s23 =	sand.u32 $0x7C000, s21;
	p0 =	sne.s32 s21, $0x63800;
	s21 =	sadd.s32 $0x800, s21  }
.Ltmp4:
0x3f: {  	s24 =	sand.u32 $0x70, s22;
	s23 =	sadd.s32 s23, s7;
	(pc) =	sbr.rel @p0 .LBB2_10-.Ltmp4, $4  }
0x40: {  	s20 =	sadd.s32 $0x80, s20;
	s23 =	sadd.s32 s24, s23  }
0x41: {  	[tilespmem:s20], [sflag:$0x2] =	stream.linear.gather [hbm4b:s23+s2], $0x80, $0x38;
	[tilespmem:$0x19280] =	vst v63  }
0x42: {  	_ = 	snop  }
0x43: {  	s22 =	sadd.s32 $0x10, s22  }
0x44: {  	s20 =	simm.s32 $0xC8  }
.LBB2_12:
0x45: {  	p0 =	sne.s32 s20, $0x1  }
.Ltmp5:
0x46: {  	_ = 	snop;
	(pc) =	sbr.rel @p0 .LBB2_12-.Ltmp5, $4  }
0x47: {  	_ = 	snop  }
0x48: {  	_ =	swait.ge [sflag:s13], $0x80  }
0x49: {  	[sflag:s13] =	ssyncset.done $0x0  }
0x4a: {  	s20 =	sadd.s32 $0xFFFFFFFF, s20;
	[sflag:s13] =	ssyncadd.s32 $0xFFFFFF80  }
0x4b: {  	s22 =	simm.s32 $0x0  }
0x4c: {  	v1 =	vld [tilespmem:s22+$0xC870]  }
0x4d: {  	v2 =	vld [tilespmem:s22+$0xC800]  }
0x4e: {  	v3 =	vld [tilespmem:s22+$0xC810]  }
0x4f: {  	v11 =	vld [tilespmem:s22+$0xC820]  }
0x50: {  	v9 =	vld [tilespmem:s22+$0xC830]  }
0x51: {  	v10 =	vimm.f32 $0.0e+00;
	v8 =	vimm.f32 $0.0e+00;
	v6 =	vld [tilespmem:s22+$0xC840]  }
0x52: {  	v7 =	vimm.f32 $0.0e+00;
	v4 =	vimm.f32 $0.0e+00;
	v5 =	vld [tilespmem:s22+$0xC850];
	v1 =	vadd.f32 v1, v10  }
0x53: {  	s20 =	simm.s32 $0x80;
	s21 =	simm.s32 $0x400;
	v13 =	vadd.f32 v2, v10;
	v12 =	vadd.f32 v3, v10;
	v3 =	vld [tilespmem:s22+$0xC860];
	v2 =	vimm.f32 $0.0e+00  }
.LBB2_14:
0x54: {  	p0 =	sne.s32 s21, $0x18E00;
	v14 =	vld [tilespmem:s20+$0xC870];
	v10 =	vadd.f32 v11, v10  }
0x55: {  	v15 =	vld [tilespmem:s20+$0xC800];
	v8 =	vadd.f32 v9, v8  }
0x56: {  	v16 =	vld [tilespmem:s20+$0xC810];
	v7 =	vadd.f32 v6, v7  }
.Ltmp6:
0x57: {  	v11 =	vld [tilespmem:s20+$0xC820];
	v4 =	vadd.f32 v5, v4;
	(pc) =	sbr.rel @p0 .LBB2_14-.Ltmp6, $4  }
0x58: {  	v9 =	vld [tilespmem:s20+$0xC830];
	v2 =	vadd.f32 v3, v2  }
0x59: {  	v6 =	vld [tilespmem:s20+$0xC840];
	v1 =	vadd.f32 v14, v1  }
0x5a: {  	v13 =	vadd.f32 v15, v13;
	v5 =	vld [tilespmem:s20+$0xC850]  }
0x5b: {  	v12 =	vadd.f32 v16, v12;
	v3 =	vld [tilespmem:s20+$0xC860];
	s20 =	sshra.s32 s21, $0x2;
	s21 =	sadd.s32 $0x200, s21  }
0x5c: {  	v14 =	vld [tilespmem:s20+$0xC800];
	_ =	sdelay $0x4  }
0x5d: {  	v13 =	vadd.f32 v14, v13;
	_ =	sdelay $0x1  }
0x5e: {  	v13 =	vadd.f32 v13, v0;
	_ =	sdelay $0x1  }
0x5f: {  	v13 =	vsub.f32 $0.0e+00, v13;
	_ =	sdelay $0x1  }
0x60: {  	v13 =	vmul.f32 $1.442695020e+00, v13;
	_ =	sdelay $0x1  }
0x61: {  	v51 =	vld [tilespmem:s20+$0xC810];
	(erf) = vpow2.f32 v13;
	_ =	sdelay $0x4  }
0x62: {  	v12 =	vadd.f32 v51, v12;
	_ =	sdelay $0x1  }
0x63: {  	v12 =	vadd.f32 v12, v0;
	_ =	sdelay $0x1  }
0x64: {  	v12 =	vsub.f32 $0.0e+00, v12;
	v13 =	vpop (erf)  }
0x65: {  	v13 =	vadd.f32 $1.000000000e+00, v13  }
0x66: {  	v12 =	vmul.f32 $1.442695020e+00, v12  }
0x67: {  	(erf) = vrcp.f32 v13  }
0x68: {  	v52 =	vld [tilespmem:s20+$0xC820];
	(erf) = vpow2.f32 v12;
	_ =	sdelay $0x2  }
0x69: {  	v10 =	vadd.f32 v11, v10;
	_ =	sdelay $0x1  }
0x6a: {  	v10 =	vadd.f32 v52, v10;
	_ =	sdelay $0x1  }
0x6b: {  	v10 =	vadd.f32 v10, v0  }
0x6c: {  	v53 =	vpop (erf)  }
0x6d: {  	v10 =	vsub.f32 $0.0e+00, v10;
	v12 =	vpop (erf)  }
0x6e: {  	v12 =	vadd.f32 $1.000000000e+00, v12  }
0x6f: {  	v10 =	vmul.f32 $1.442695020e+00, v10  }
0x70: {  	(erf) = vrcp.f32 v12  }
0x71: {  	v54 =	vld [tilespmem:s20+$0xC830];
	(erf) = vpow2.f32 v10;
	_ =	sdelay $0x2  }
0x72: {  	v8 =	vadd.f32 v9, v8;
	_ =	sdelay $0x1  }
0x73: {  	v8 =	vadd.f32 v54, v8;
	_ =	sdelay $0x1  }
0x74: {  	v8 =	vadd.f32 v8, v0  }
0x75: {  	v55 =	vpop (erf)  }
0x76: {  	v8 =	vsub.f32 $0.0e+00, v8;
	v10 =	vpop (erf)  }
0x77: {  	v10 =	vadd.f32 $1.000000000e+00, v10  }
0x78: {  	v8 =	vmul.f32 $1.442695020e+00, v8  }
0x79: {  	(erf) = vrcp.f32 v10  }
0x7a: {  	v56 =	vld [tilespmem:s20+$0xC840];
	(erf) = vpow2.f32 v8;
	_ =	sdelay $0x2  }
0x7b: {  	v6 =	vadd.f32 v6, v7;
	_ =	sdelay $0x1  }
0x7c: {  	v6 =	vadd.f32 v56, v6;
	_ =	sdelay $0x1  }
0x7d: {  	v6 =	vadd.f32 v6, v0  }
0x7e: {  	v57 =	vpop (erf)  }
0x7f: {  	v6 =	vsub.f32 $0.0e+00, v6;
	v8 =	vpop (erf)  }
0x80: {  	v8 =	vadd.f32 $1.000000000e+00, v8  }
0x81: {  	v6 =	vmul.f32 $1.442695020e+00, v6  }
0x82: {  	(erf) = vrcp.f32 v8  }
0x83: {  	v58 =	vld [tilespmem:s20+$0xC850];
	(erf) = vpow2.f32 v6;
	_ =	sdelay $0x2  }
0x84: {  	v4 =	vadd.f32 v5, v4;
	_ =	sdelay $0x1  }
0x85: {  	v4 =	vadd.f32 v58, v4;
	_ =	sdelay $0x1  }
0x86: {  	v4 =	vadd.f32 v4, v0  }
0x87: {  	v59 =	vpop (erf)  }
0x88: {  	v4 =	vsub.f32 $0.0e+00, v4;
	v6 =	vpop (erf)  }
0x89: {  	v6 =	vadd.f32 $1.000000000e+00, v6  }
0x8a: {  	v4 =	vmul.f32 $1.442695020e+00, v4  }
0x8b: {  	(erf) = vrcp.f32 v6  }
0x8c: {  	v60 =	vld [tilespmem:s20+$0xC860];
	(erf) = vpow2.f32 v4;
	_ =	sdelay $0x2  }
0x8d: {  	v2 =	vadd.f32 v3, v2;
	_ =	sdelay $0x1  }
0x8e: {  	v2 =	vadd.f32 v60, v2;
	_ =	sdelay $0x1  }
0x8f: {  	v2 =	vadd.f32 v2, v0  }
0x90: {  	v3 =	vpop (erf)  }
0x91: {  	v2 =	vsub.f32 $0.0e+00, v2;
	v4 =	vpop (erf)  }
0x92: {  	v4 =	vadd.f32 $1.000000000e+00, v4  }
0x93: {  	v2 =	vmul.f32 $1.442695020e+00, v2  }
0x94: {  	(erf) = vrcp.f32 v4  }
0x95: {  	v61 =	vld [tilespmem:s20+$0xC870];
	(erf) = vpow2.f32 v2;
	_ =	sdelay $0x4  }
0x96: {  	v1 =	vadd.f32 v61, v1;
	_ =	sdelay $0x1  }
0x97: {  	v1 =	vadd.f32 v1, v0  }
0x98: {  	v2 =	vpop (erf)  }
0x99: {  	v1 =	vsub.f32 $0.0e+00, v1;
	v62 =	vpop (erf)  }
0x9a: {  	v4 =	vadd.f32 $1.000000000e+00, v62  }
0x9b: {  	v1 =	vmul.f32 $1.442695020e+00, v1  }
0x9c: {  	(erf) = vrcp.f32 v4  }
0x9d: {  	(erf) = vpow2.f32 v1;
	_ =	sdelay $0x7  }
0x9e: {  	v1 =	vpop (erf)  }
0x9f: {  	v63 =	vpop (erf)  }
0xa0: {  	v4 =	vadd.f32 $1.000000000e+00, v63;
	_ =	sdelay $0x1  }
0xa1: {  	(erf) = vrcp.f32 v4;
	_ =	sdelay $0x2  }
0xa2: {  	[tilespmem:$0x19000] =	vst v53  }
0xa3: {  	[tilespmem:$0x19010] =	vst v55  }
0xa4: {  	[tilespmem:$0x19020] =	vst v57  }
0xa5: {  	[tilespmem:$0x19030] =	vst v59  }
0xa6: {  	[tilespmem:$0x19040] =	vst v3  }
0xa7: {  	[tilespmem:$0x19050] =	vst v2  }
0xa8: {  	[tilespmem:$0x19060] =	vst v1;
	v1 =	vpop (erf)  }
0xa9: {  	[tilespmem:$0x19070] =	vst v1  }
0xaa: {  	_ =	swait.ge [sflag:s15], $0x6400  }
0xab: {  	s21 =	simm.s32 $0x0;
	[sflag:s15] =	ssyncset.done $0x0  }
0xac: {  	s20 =	simm.s32 $0x6400;
	s22 =	sand.u32 $0x7C000, s21;
	[sflag:s15] =	ssyncadd.s32 $0xFFFF9C00  }
0xad: {  	[tilespmem:s14], [sflag:$0x1] =	stream.indirect.gather [hbm4b:s3+s20], $0x1, s21, s20, $0xb8;
	[tilespmem:$0x19280] =	vst v63  }
0xae: {  	s22 =	sadd.s32 s22, s8;
	s21 =	sand.u32 $0x70, s21  }
0xaf: {  	s21 =	sadd.s32 s21, s22  }
0xb0: {  	[tilespmem:s20], [sflag:$0x2] =	stream.linear.gather [hbm4b:s21+s2], $0x80, $0x38;
	[tilespmem:$0x19280] =	vst v63  }
0xb1: {  	s22 =	simm.s32 $0x10;
	s21 =	simm.s32 $0x800  }
.LBB2_16:
0xb2: {  	s23 =	sand.u32 $0x7C000, s21;
	p0 =	sne.s32 s21, $0x63800;
	s21 =	sadd.s32 $0x800, s21  }
.Ltmp7:
0xb3: {  	s24 =	sand.u32 $0x70, s22;
	s23 =	sadd.s32 s23, s8;
	(pc) =	sbr.rel @p0 .LBB2_16-.Ltmp7, $4  }
0xb4: {  	s20 =	sadd.s32 $0x80, s20;
	s23 =	sadd.s32 s24, s23  }
0xb5: {  	[tilespmem:s20], [sflag:$0x2] =	stream.linear.gather [hbm4b:s23+s2], $0x80, $0x38;
	[tilespmem:$0x19280] =	vst v63  }
0xb6: {  	_ = 	snop  }
0xb7: {  	s22 =	sadd.s32 $0x10, s22  }
0xb8: {  	s20 =	simm.s32 $0xC8  }
.LBB2_18:
0xb9: {  	p0 =	sne.s32 s20, $0x1  }
.Ltmp8:
0xba: {  	_ = 	snop;
	(pc) =	sbr.rel @p0 .LBB2_18-.Ltmp8, $4  }
0xbb: {  	_ = 	snop  }
0xbc: {  	_ =	swait.ge [sflag:s13], $0x80  }
0xbd: {  	[sflag:s13] =	ssyncset.done $0x0  }
0xbe: {  	s20 =	sadd.s32 $0xFFFFFFFF, s20;
	[sflag:s13] =	ssyncadd.s32 $0xFFFFFF80  }
0xbf: {  	s22 =	simm.s32 $0x0  }
0xc0: {  	v1 =	vld [tilespmem:s22+$0x12C70]  }
0xc1: {  	v2 =	vld [tilespmem:s22+$0x12C00]  }
0xc2: {  	v3 =	vld [tilespmem:s22+$0x12C10]  }
0xc3: {  	v11 =	vld [tilespmem:s22+$0x12C20]  }
0xc4: {  	v9 =	vld [tilespmem:s22+$0x12C30]  }
0xc5: {  	v10 =	vimm.f32 $0.0e+00;
	v8 =	vimm.f32 $0.0e+00;
	v6 =	vld [tilespmem:s22+$0x12C40]  }
0xc6: {  	v7 =	vimm.f32 $0.0e+00;
	v4 =	vimm.f32 $0.0e+00;
	v5 =	vld [tilespmem:s22+$0x12C50];
	v1 =	vadd.f32 v1, v10  }
0xc7: {  	s20 =	simm.s32 $0x80;
	s21 =	simm.s32 $0x400;
	v13 =	vadd.f32 v2, v10;
	v12 =	vadd.f32 v3, v10;
	v3 =	vld [tilespmem:s22+$0x12C60];
	v2 =	vimm.f32 $0.0e+00  }
.LBB2_20:
0xc8: {  	p0 =	sne.s32 s21, $0x18E00;
	v14 =	vld [tilespmem:s20+$0x12C70];
	v10 =	vadd.f32 v11, v10  }
0xc9: {  	v15 =	vld [tilespmem:s20+$0x12C00];
	v8 =	vadd.f32 v9, v8  }
0xca: {  	v16 =	vld [tilespmem:s20+$0x12C10];
	v7 =	vadd.f32 v6, v7  }
.Ltmp9:
0xcb: {  	v11 =	vld [tilespmem:s20+$0x12C20];
	v4 =	vadd.f32 v5, v4;
	(pc) =	sbr.rel @p0 .LBB2_20-.Ltmp9, $4  }
0xcc: {  	v9 =	vld [tilespmem:s20+$0x12C30];
	v2 =	vadd.f32 v3, v2  }
0xcd: {  	v6 =	vld [tilespmem:s20+$0x12C40];
	v1 =	vadd.f32 v14, v1  }
0xce: {  	v13 =	vadd.f32 v15, v13;
	v5 =	vld [tilespmem:s20+$0x12C50]  }
0xcf: {  	v12 =	vadd.f32 v16, v12;
	v3 =	vld [tilespmem:s20+$0x12C60];
	s20 =	sshra.s32 s21, $0x2;
	s21 =	sadd.s32 $0x200, s21  }
0xd0: {  	v14 =	vld [tilespmem:s20+$0x12C00];
	_ =	sdelay $0x4  }
0xd1: {  	v13 =	vadd.f32 v14, v13;
	_ =	sdelay $0x1  }
0xd2: {  	v13 =	vadd.f32 v13, v0;
	_ =	sdelay $0x1  }
0xd3: {  	v13 =	vsub.f32 $0.0e+00, v13;
	_ =	sdelay $0x1  }
0xd4: {  	v13 =	vmul.f32 $1.442695020e+00, v13;
	_ =	sdelay $0x1  }
0xd5: {  	v14 =	vld [tilespmem:s20+$0x12C10];
	(erf) = vpow2.f32 v13;
	_ =	sdelay $0x4  }
0xd6: {  	v12 =	vadd.f32 v14, v12;
	_ =	sdelay $0x1  }
0xd7: {  	v12 =	vadd.f32 v12, v0;
	_ =	sdelay $0x1  }
0xd8: {  	v12 =	vsub.f32 $0.0e+00, v12;
	v13 =	vpop (erf)  }
0xd9: {  	v13 =	vadd.f32 $1.000000000e+00, v13  }
0xda: {  	v12 =	vmul.f32 $1.442695020e+00, v12  }
0xdb: {  	(erf) = vrcp.f32 v13  }
0xdc: {  	v13 =	vld [tilespmem:s20+$0x12C20];
	(erf) = vpow2.f32 v12;
	_ =	sdelay $0x2  }
0xdd: {  	v10 =	vadd.f32 v11, v10;
	_ =	sdelay $0x1  }
0xde: {  	v10 =	vadd.f32 v13, v10;
	_ =	sdelay $0x1  }
0xdf: {  	v10 =	vadd.f32 v10, v0  }
0xe0: {  	v11 =	vpop (erf)  }
0xe1: {  	v10 =	vsub.f32 $0.0e+00, v10;
	v12 =	vpop (erf)  }
0xe2: {  	v12 =	vadd.f32 $1.000000000e+00, v12  }
0xe3: {  	v10 =	vmul.f32 $1.442695020e+00, v10  }
0xe4: {  	(erf) = vrcp.f32 v12  }
0xe5: {  	v12 =	vld [tilespmem:s20+$0x12C30];
	(erf) = vpow2.f32 v10;
	_ =	sdelay $0x2  }
0xe6: {  	v8 =	vadd.f32 v9, v8;
	_ =	sdelay $0x1  }
0xe7: {  	v8 =	vadd.f32 v12, v8;
	_ =	sdelay $0x1  }
0xe8: {  	v8 =	vadd.f32 v8, v0  }
0xe9: {  	v9 =	vpop (erf)  }
0xea: {  	v8 =	vsub.f32 $0.0e+00, v8;
	v10 =	vpop (erf)  }
0xeb: {  	v10 =	vadd.f32 $1.000000000e+00, v10  }
0xec: {  	v8 =	vmul.f32 $1.442695020e+00, v8  }
0xed: {  	(erf) = vrcp.f32 v10  }
0xee: {  	v10 =	vld [tilespmem:s20+$0x12C40];
	(erf) = vpow2.f32 v8;
	_ =	sdelay $0x2  }
0xef: {  	v6 =	vadd.f32 v6, v7;
	_ =	sdelay $0x1  }
0xf0: {  	v6 =	vadd.f32 v10, v6;
	_ =	sdelay $0x1  }
0xf1: {  	v6 =	vadd.f32 v6, v0  }
0xf2: {  	v7 =	vpop (erf)  }
0xf3: {  	v6 =	vsub.f32 $0.0e+00, v6;
	v8 =	vpop (erf)  }
0xf4: {  	v8 =	vadd.f32 $1.000000000e+00, v8  }
0xf5: {  	v6 =	vmul.f32 $1.442695020e+00, v6  }
0xf6: {  	(erf) = vrcp.f32 v8  }
0xf7: {  	v8 =	vld [tilespmem:s20+$0x12C50];
	(erf) = vpow2.f32 v6;
	_ =	sdelay $0x2  }
0xf8: {  	v4 =	vadd.f32 v5, v4;
	_ =	sdelay $0x1  }
0xf9: {  	v4 =	vadd.f32 v8, v4;
	_ =	sdelay $0x1  }
0xfa: {  	v4 =	vadd.f32 v4, v0  }
0xfb: {  	v5 =	vpop (erf)  }
0xfc: {  	v4 =	vsub.f32 $0.0e+00, v4;
	v6 =	vpop (erf)  }
0xfd: {  	v6 =	vadd.f32 $1.000000000e+00, v6  }
0xfe: {  	v4 =	vmul.f32 $1.442695020e+00, v4  }
0xff: {  	(erf) = vrcp.f32 v6  }
0x100: {  	v6 =	vld [tilespmem:s20+$0x12C60];
	(erf) = vpow2.f32 v4;
	_ =	sdelay $0x2  }
0x101: {  	v2 =	vadd.f32 v3, v2;
	_ =	sdelay $0x1  }
0x102: {  	v2 =	vadd.f32 v6, v2;
	_ =	sdelay $0x1  }
0x103: {  	v2 =	vadd.f32 v2, v0  }
0x104: {  	v3 =	vpop (erf)  }
0x105: {  	v2 =	vsub.f32 $0.0e+00, v2;
	v4 =	vpop (erf)  }
0x106: {  	v4 =	vadd.f32 $1.000000000e+00, v4  }
0x107: {  	v2 =	vmul.f32 $1.442695020e+00, v2  }
0x108: {  	(erf) = vrcp.f32 v4  }
0x109: {  	v4 =	vld [tilespmem:s20+$0x12C70];
	(erf) = vpow2.f32 v2;
	_ =	sdelay $0x4  }
0x10a: {  	v1 =	vadd.f32 v4, v1;
	_ =	sdelay $0x1  }
0x10b: {  	v1 =	vadd.f32 v1, v0  }
0x10c: {  	v2 =	vpop (erf)  }
0x10d: {  	v1 =	vsub.f32 $0.0e+00, v1;
	v4 =	vpop (erf)  }
0x10e: {  	v4 =	vadd.f32 $1.000000000e+00, v4  }
0x10f: {  	v1 =	vmul.f32 $1.442695020e+00, v1  }
0x110: {  	(erf) = vrcp.f32 v4  }
0x111: {  	(erf) = vpow2.f32 v1;
	_ =	sdelay $0x7  }
0x112: {  	v1 =	vpop (erf)  }
0x113: {  	v4 =	vpop (erf)  }
0x114: {  	v4 =	vadd.f32 $1.000000000e+00, v4;
	_ =	sdelay $0x1  }
0x115: {  	(erf) = vrcp.f32 v4;
	_ =	sdelay $0x2  }
0x116: {  	[tilespmem:$0x19080] =	vst v11  }
0x117: {  	[tilespmem:$0x19090] =	vst v9  }
0x118: {  	[tilespmem:$0x190A0] =	vst v7  }
0x119: {  	[tilespmem:$0x190B0] =	vst v5  }
0x11a: {  	[tilespmem:$0x190C0] =	vst v3  }
0x11b: {  	[tilespmem:$0x190D0] =	vst v2  }
0x11c: {  	[tilespmem:$0x190E0] =	vst v1;
	v1 =	vpop (erf)  }
0x11d: {  	[tilespmem:$0x190F0] =	vst v1  }
0x11e: {  	_ =	swait.ge [sflag:s15], $0x6400  }
0x11f: {  	[sflag:s15] =	ssyncset.done $0x0  }
0x120: {  	s22 =	simm.s32 $0x0;
	[sflag:s15] =	ssyncadd.s32 $0xFFFF9C00  }
0x121: {  	[tilespmem:s17], [sflag:$0x1] =	stream.indirect.gather [hbm4b:s3+s16], $0x1, s16, s16, $0xb8;
	[tilespmem:$0x19280] =	vst v63  }
0x122: {  	v1 =	vld [tilespmem:s22+$0xC870]  }
0x123: {  	v2 =	vld [tilespmem:s22+$0xC800]  }
0x124: {  	v3 =	vld [tilespmem:s22+$0xC810]  }
0x125: {  	v11 =	vld [tilespmem:s22+$0xC820]  }
0x126: {  	v9 =	vld [tilespmem:s22+$0xC830]  }
0x127: {  	v10 =	vimm.f32 $0.0e+00;
	v8 =	vimm.f32 $0.0e+00;
	v6 =	vld [tilespmem:s22+$0xC840]  }
0x128: {  	v7 =	vimm.f32 $0.0e+00;
	v4 =	vimm.f32 $0.0e+00;
	v5 =	vld [tilespmem:s22+$0xC850];
	v1 =	vadd.f32 v1, v10  }
0x129: {  	s21 =	simm.s32 $0x400;
	s20 =	simm.s32 $0x80;
	v13 =	vadd.f32 v2, v10;
	v12 =	vadd.f32 v3, v10;
	v3 =	vld [tilespmem:s22+$0xC860];
	v2 =	vimm.f32 $0.0e+00  }
.LBB2_22:
0x12a: {  	p0 =	sne.s32 s21, $0x18E00;
	v14 =	vld [tilespmem:s20+$0xC870];
	v10 =	vadd.f32 v11, v10  }
0x12b: {  	v15 =	vld [tilespmem:s20+$0xC800];
	v8 =	vadd.f32 v9, v8  }
0x12c: {  	v16 =	vld [tilespmem:s20+$0xC810];
	v7 =	vadd.f32 v6, v7  }
.Ltmp10:
0x12d: {  	v11 =	vld [tilespmem:s20+$0xC820];
	v4 =	vadd.f32 v5, v4;
	(pc) =	sbr.rel @p0 .LBB2_22-.Ltmp10, $4  }
0x12e: {  	v9 =	vld [tilespmem:s20+$0xC830];
	v2 =	vadd.f32 v3, v2  }
0x12f: {  	v6 =	vld [tilespmem:s20+$0xC840];
	v1 =	vadd.f32 v14, v1  }
0x130: {  	v13 =	vadd.f32 v15, v13;
	v5 =	vld [tilespmem:s20+$0xC850]  }
0x131: {  	v12 =	vadd.f32 v16, v12;
	v3 =	vld [tilespmem:s20+$0xC860];
	s20 =	sshra.s32 s21, $0x2;
	s21 =	sadd.s32 $0x200, s21  }
0x132: {  	v14 =	vld [tilespmem:s20+$0xC800];
	_ =	sdelay $0x4  }
0x133: {  	v13 =	vadd.f32 v14, v13;
	_ =	sdelay $0x1  }
0x134: {  	v13 =	vadd.f32 v13, v0;
	_ =	sdelay $0x1  }
0x135: {  	v13 =	vsub.f32 $0.0e+00, v13;
	_ =	sdelay $0x1  }
0x136: {  	v13 =	vmul.f32 $1.442695020e+00, v13;
	_ =	sdelay $0x1  }
0x137: {  	v14 =	vld [tilespmem:s20+$0xC810];
	(erf) = vpow2.f32 v13;
	_ =	sdelay $0x4  }
0x138: {  	v12 =	vadd.f32 v14, v12;
	_ =	sdelay $0x1  }
0x139: {  	v12 =	vadd.f32 v12, v0;
	_ =	sdelay $0x1  }
0x13a: {  	v12 =	vsub.f32 $0.0e+00, v12;
	v13 =	vpop (erf)  }
0x13b: {  	v13 =	vadd.f32 $1.000000000e+00, v13  }
0x13c: {  	v12 =	vmul.f32 $1.442695020e+00, v12  }
0x13d: {  	(erf) = vrcp.f32 v13  }
0x13e: {  	v13 =	vld [tilespmem:s20+$0xC820];
	(erf) = vpow2.f32 v12;
	_ =	sdelay $0x2  }
0x13f: {  	v10 =	vadd.f32 v11, v10;
	_ =	sdelay $0x1  }
0x140: {  	v10 =	vadd.f32 v13, v10;
	_ =	sdelay $0x1  }
0x141: {  	v10 =	vadd.f32 v10, v0  }
0x142: {  	v11 =	vpop (erf)  }
0x143: {  	v10 =	vsub.f32 $0.0e+00, v10;
	v12 =	vpop (erf)  }
0x144: {  	v12 =	vadd.f32 $1.000000000e+00, v12  }
0x145: {  	v10 =	vmul.f32 $1.442695020e+00, v10  }
0x146: {  	(erf) = vrcp.f32 v12  }
0x147: {  	v12 =	vld [tilespmem:s20+$0xC830];
	(erf) = vpow2.f32 v10;
	_ =	sdelay $0x2  }
0x148: {  	v8 =	vadd.f32 v9, v8;
	_ =	sdelay $0x1  }
0x149: {  	v8 =	vadd.f32 v12, v8;
	_ =	sdelay $0x1  }
0x14a: {  	v8 =	vadd.f32 v8, v0  }
0x14b: {  	v9 =	vpop (erf)  }
0x14c: {  	v8 =	vsub.f32 $0.0e+00, v8;
	v10 =	vpop (erf)  }
0x14d: {  	v10 =	vadd.f32 $1.000000000e+00, v10  }
0x14e: {  	v8 =	vmul.f32 $1.442695020e+00, v8  }
0x14f: {  	(erf) = vrcp.f32 v10  }
0x150: {  	v10 =	vld [tilespmem:s20+$0xC840];
	(erf) = vpow2.f32 v8;
	_ =	sdelay $0x2  }
0x151: {  	v6 =	vadd.f32 v6, v7;
	_ =	sdelay $0x1  }
0x152: {  	v6 =	vadd.f32 v10, v6;
	_ =	sdelay $0x1  }
0x153: {  	v6 =	vadd.f32 v6, v0  }
0x154: {  	v7 =	vpop (erf)  }
0x155: {  	v6 =	vsub.f32 $0.0e+00, v6;
	v8 =	vpop (erf)  }
0x156: {  	v8 =	vadd.f32 $1.000000000e+00, v8  }
0x157: {  	v6 =	vmul.f32 $1.442695020e+00, v6  }
0x158: {  	(erf) = vrcp.f32 v8  }
0x159: {  	v8 =	vld [tilespmem:s20+$0xC850];
	(erf) = vpow2.f32 v6;
	_ =	sdelay $0x2  }
0x15a: {  	v4 =	vadd.f32 v5, v4;
	_ =	sdelay $0x1  }
0x15b: {  	v4 =	vadd.f32 v8, v4;
	_ =	sdelay $0x1  }
0x15c: {  	v4 =	vadd.f32 v4, v0  }
0x15d: {  	v5 =	vpop (erf)  }
0x15e: {  	v4 =	vsub.f32 $0.0e+00, v4;
	v6 =	vpop (erf)  }
0x15f: {  	v6 =	vadd.f32 $1.000000000e+00, v6  }
0x160: {  	v4 =	vmul.f32 $1.442695020e+00, v4  }
0x161: {  	(erf) = vrcp.f32 v6  }
0x162: {  	v6 =	vld [tilespmem:s20+$0xC860];
	(erf) = vpow2.f32 v4;
	_ =	sdelay $0x2  }
0x163: {  	v2 =	vadd.f32 v3, v2;
	_ =	sdelay $0x1  }
0x164: {  	v2 =	vadd.f32 v6, v2;
	_ =	sdelay $0x1  }
0x165: {  	v2 =	vadd.f32 v2, v0  }
0x166: {  	v3 =	vpop (erf)  }
0x167: {  	v2 =	vsub.f32 $0.0e+00, v2;
	v4 =	vpop (erf)  }
0x168: {  	v4 =	vadd.f32 $1.000000000e+00, v4  }
0x169: {  	v2 =	vmul.f32 $1.442695020e+00, v2  }
0x16a: {  	(erf) = vrcp.f32 v4  }
0x16b: {  	v4 =	vld [tilespmem:s20+$0xC870];
	(erf) = vpow2.f32 v2;
	_ =	sdelay $0x4  }
0x16c: {  	v1 =	vadd.f32 v4, v1;
	_ =	sdelay $0x1  }
0x16d: {  	v1 =	vadd.f32 v1, v0  }
0x16e: {  	v2 =	vpop (erf)  }
0x16f: {  	v1 =	vsub.f32 $0.0e+00, v1;
	v4 =	vpop (erf)  }
0x170: {  	v4 =	vadd.f32 $1.000000000e+00, v4  }
0x171: {  	v1 =	vmul.f32 $1.442695020e+00, v1  }
0x172: {  	(erf) = vrcp.f32 v4  }
0x173: {  	(erf) = vpow2.f32 v1;
	_ =	sdelay $0x7  }
0x174: {  	v1 =	vpop (erf)  }
0x175: {  	v4 =	vpop (erf)  }
0x176: {  	v4 =	vadd.f32 $1.000000000e+00, v4;
	_ =	sdelay $0x1  }
0x177: {  	(erf) = vrcp.f32 v4;
	_ =	sdelay $0x2  }
0x178: {  	[tilespmem:$0x19100] =	vst v11  }
0x179: {  	[tilespmem:$0x19110] =	vst v9  }
0x17a: {  	[tilespmem:$0x19120] =	vst v7  }
0x17b: {  	[tilespmem:$0x19130] =	vst v5  }
0x17c: {  	[tilespmem:$0x19140] =	vst v3  }
0x17d: {  	[tilespmem:$0x19150] =	vst v2  }
0x17e: {  	[tilespmem:$0x19160] =	vst v1;
	v1 =	vpop (erf)  }
0x17f: {  	[tilespmem:$0x19170] =	vst v1  }
0x180: {  	_ =	swait.ge [sflag:s15], $0x6400  }
0x181: {  	[sflag:s15] =	ssyncset.done $0x0  }
0x182: {  	s22 =	simm.s32 $0x0;
	[sflag:s15] =	ssyncadd.s32 $0xFFFF9C00  }
0x183: {  	v1 =	vld [tilespmem:s22+$0x12C70]  }
0x184: {  	v2 =	vld [tilespmem:s22+$0x12C00]  }
0x185: {  	v3 =	vld [tilespmem:s22+$0x12C10]  }
0x186: {  	v11 =	vld [tilespmem:s22+$0x12C20]  }
0x187: {  	v9 =	vld [tilespmem:s22+$0x12C30]  }
0x188: {  	v10 =	vimm.f32 $0.0e+00;
	v8 =	vimm.f32 $0.0e+00;
	v6 =	vld [tilespmem:s22+$0x12C40]  }
0x189: {  	v7 =	vimm.f32 $0.0e+00;
	v4 =	vimm.f32 $0.0e+00;
	v5 =	vld [tilespmem:s22+$0x12C50];
	v1 =	vadd.f32 v1, v10  }
0x18a: {  	s21 =	simm.s32 $0x400;
	s20 =	simm.s32 $0x80;
	v13 =	vadd.f32 v2, v10;
	v12 =	vadd.f32 v3, v10;
	v3 =	vld [tilespmem:s22+$0x12C60];
	v2 =	vimm.f32 $0.0e+00  }
.LBB2_24:
0x18b: {  	p0 =	sne.s32 s21, $0x18E00;
	v14 =	vld [tilespmem:s20+$0x12C70];
	v10 =	vadd.f32 v11, v10  }
0x18c: {  	v15 =	vld [tilespmem:s20+$0x12C00];
	v8 =	vadd.f32 v9, v8  }
0x18d: {  	v16 =	vld [tilespmem:s20+$0x12C10];
	v7 =	vadd.f32 v6, v7  }
.Ltmp11:
0x18e: {  	v11 =	vld [tilespmem:s20+$0x12C20];
	v4 =	vadd.f32 v5, v4;
	(pc) =	sbr.rel @p0 .LBB2_24-.Ltmp11, $4  }
0x18f: {  	v9 =	vld [tilespmem:s20+$0x12C30];
	v2 =	vadd.f32 v3, v2  }
0x190: {  	v6 =	vld [tilespmem:s20+$0x12C40];
	v1 =	vadd.f32 v14, v1  }
0x191: {  	v13 =	vadd.f32 v15, v13;
	v5 =	vld [tilespmem:s20+$0x12C50]  }
0x192: {  	v12 =	vadd.f32 v16, v12;
	v3 =	vld [tilespmem:s20+$0x12C60];
	s20 =	sshra.s32 s21, $0x2;
	s21 =	sadd.s32 $0x200, s21  }
0x193: {  	v14 =	vld [tilespmem:s20+$0x12C00];
	_ =	sdelay $0x4  }
0x194: {  	v13 =	vadd.f32 v14, v13;
	_ =	sdelay $0x1  }
0x195: {  	v13 =	vadd.f32 v13, v0;
	_ =	sdelay $0x1  }
0x196: {  	v13 =	vsub.f32 $0.0e+00, v13;
	_ =	sdelay $0x1  }
0x197: {  	v13 =	vmul.f32 $1.442695020e+00, v13;
	_ =	sdelay $0x1  }
0x198: {  	v47 =	vld [tilespmem:s20+$0x12C10];
	(erf) = vpow2.f32 v13;
	_ =	sdelay $0x4  }
0x199: {  	v12 =	vadd.f32 v47, v12;
	_ =	sdelay $0x1  }
0x19a: {  	v12 =	vadd.f32 v12, v0;
	_ =	sdelay $0x1  }
0x19b: {  	v12 =	vsub.f32 $0.0e+00, v12;
	v13 =	vpop (erf)  }
0x19c: {  	v13 =	vadd.f32 $1.000000000e+00, v13  }
0x19d: {  	v12 =	vmul.f32 $1.442695020e+00, v12  }
0x19e: {  	(erf) = vrcp.f32 v13  }
0x19f: {  	v48 =	vld [tilespmem:s20+$0x12C20];
	(erf) = vpow2.f32 v12;
	_ =	sdelay $0x2  }
0x1a0: {  	v10 =	vadd.f32 v11, v10;
	_ =	sdelay $0x1  }
0x1a1: {  	v10 =	vadd.f32 v48, v10;
	_ =	sdelay $0x1  }
0x1a2: {  	v10 =	vadd.f32 v10, v0  }
0x1a3: {  	v49 =	vpop (erf)  }
0x1a4: {  	v10 =	vsub.f32 $0.0e+00, v10;
	v12 =	vpop (erf)  }
0x1a5: {  	v12 =	vadd.f32 $1.000000000e+00, v12  }
0x1a6: {  	v10 =	vmul.f32 $1.442695020e+00, v10  }
0x1a7: {  	(erf) = vrcp.f32 v12  }
0x1a8: {  	v50 =	vld [tilespmem:s20+$0x12C30];
	(erf) = vpow2.f32 v10;
	_ =	sdelay $0x2  }
0x1a9: {  	v8 =	vadd.f32 v9, v8;
	_ =	sdelay $0x1  }
0x1aa: {  	v8 =	vadd.f32 v50, v8;
	_ =	sdelay $0x1  }
0x1ab: {  	v8 =	vadd.f32 v8, v0  }
0x1ac: {  	v51 =	vpop (erf)  }
0x1ad: {  	v8 =	vsub.f32 $0.0e+00, v8;
	v10 =	vpop (erf)  }
0x1ae: {  	v10 =	vadd.f32 $1.000000000e+00, v10  }
0x1af: {  	v8 =	vmul.f32 $1.442695020e+00, v8  }
0x1b0: {  	(erf) = vrcp.f32 v10  }
0x1b1: {  	v52 =	vld [tilespmem:s20+$0x12C40];
	(erf) = vpow2.f32 v8;
	_ =	sdelay $0x2  }
0x1b2: {  	v6 =	vadd.f32 v6, v7;
	_ =	sdelay $0x1  }
0x1b3: {  	v6 =	vadd.f32 v52, v6;
	_ =	sdelay $0x1  }
0x1b4: {  	v6 =	vadd.f32 v6, v0  }
0x1b5: {  	v53 =	vpop (erf)  }
0x1b6: {  	v6 =	vsub.f32 $0.0e+00, v6;
	v8 =	vpop (erf)  }
0x1b7: {  	v8 =	vadd.f32 $1.000000000e+00, v8  }
0x1b8: {  	v6 =	vmul.f32 $1.442695020e+00, v6  }
0x1b9: {  	(erf) = vrcp.f32 v8  }
0x1ba: {  	v54 =	vld [tilespmem:s20+$0x12C50];
	(erf) = vpow2.f32 v6;
	_ =	sdelay $0x2  }
0x1bb: {  	v4 =	vadd.f32 v5, v4;
	_ =	sdelay $0x1  }
0x1bc: {  	v4 =	vadd.f32 v54, v4;
	_ =	sdelay $0x1  }
0x1bd: {  	v4 =	vadd.f32 v4, v0  }
0x1be: {  	v55 =	vpop (erf)  }
0x1bf: {  	v4 =	vsub.f32 $0.0e+00, v4;
	v6 =	vpop (erf)  }
0x1c0: {  	v6 =	vadd.f32 $1.000000000e+00, v6  }
0x1c1: {  	v4 =	vmul.f32 $1.442695020e+00, v4  }
0x1c2: {  	(erf) = vrcp.f32 v6  }
0x1c3: {  	v56 =	vld [tilespmem:s20+$0x12C60];
	(erf) = vpow2.f32 v4;
	_ =	sdelay $0x2  }
0x1c4: {  	v2 =	vadd.f32 v3, v2;
	_ =	sdelay $0x1  }
0x1c5: {  	v2 =	vadd.f32 v56, v2;
	_ =	sdelay $0x1  }
0x1c6: {  	v2 =	vadd.f32 v2, v0  }
0x1c7: {  	v57 =	vpop (erf)  }
0x1c8: {  	v2 =	vsub.f32 $0.0e+00, v2;
	v4 =	vpop (erf)  }
0x1c9: {  	v4 =	vadd.f32 $1.000000000e+00, v4  }
0x1ca: {  	v2 =	vmul.f32 $1.442695020e+00, v2  }
0x1cb: {  	(erf) = vrcp.f32 v4  }
0x1cc: {  	v58 =	vld [tilespmem:s20+$0x12C70];
	(erf) = vpow2.f32 v2;
	_ =	sdelay $0x4  }
0x1cd: {  	v1 =	vadd.f32 v58, v1;
	_ =	sdelay $0x1  }
0x1ce: {  	v59 =	vadd.f32 v1, v0  }
0x1cf: {  	v60 =	vpop (erf)  }
0x1d0: {  	v0 =	vsub.f32 $0.0e+00, v59;
	v2 =	vpop (erf)  }
0x1d1: {  	v2 =	vadd.f32 $1.000000000e+00, v2  }
0x1d2: {  	v0 =	vmul.f32 $1.442695020e+00, v0  }
0x1d3: {  	(erf) = vrcp.f32 v2  }
0x1d4: {  	(erf) = vpow2.f32 v0;
	_ =	sdelay $0x7  }
0x1d5: {  	v61 =	vpop (erf)  }
0x1d6: {  	v62 =	vpop (erf)  }
0x1d7: {  	v2 =	vadd.f32 $1.000000000e+00, v62;
	_ =	sdelay $0x1  }
0x1d8: {  	(erf) = vrcp.f32 v2;
	_ =	sdelay $0x2  }
0x1d9: {  	[tilespmem:$0x19180] =	vst v49  }
0x1da: {  	[tilespmem:$0x19190] =	vst v51  }
0x1db: {  	[tilespmem:$0x191A0] =	vst v53  }
0x1dc: {  	[tilespmem:$0x191B0] =	vst v55  }
0x1dd: {  	[tilespmem:$0x191C0] =	vst v57  }
0x1de: {  	s19 =	sadd.s32 $0x1, s19;
	[tilespmem:$0x191D0] =	vst v60  }
0x1df: {  	p0 =	sne.s32 s19, s10;
	[tilespmem:$0x191E0] =	vst v61;
	v63 =	vpop (erf)  }
.Ltmp12:
0x1e0: {  	[tilespmem:$0x191F0] =	vst v63;
	(pc) =	sbr.rel @p0 .LBB2_1-.Ltmp12, $4  }
0x1e1: {  	[hbm4b:s9+s2] =	stream.linear.scatter [tilespmem:s18], [sflag:$0x3], $0x200, $0x38;
	[tilespmem:$0x19280] =	vst v63  }
0x1e2: {  	_ =	swait.ge [sflag:s12], $0x200  }
0x1e3: {  	[sflag:s12] =	ssyncset.done $0x0  }
0x1e4: {  	[sflag:s12] =	ssyncadd.s32 $0xFFFFFE00  }
0x1e5: {  	_ =	sfence.sel $0x180000  }
0x1e6: {  	[bflag:$0x0] =	sbarrier.arrive $0xFFFF  }
0x1e7: {  	p0 =	sne.s32 s1, $0x0;
	_ =	strace $0x90000047  }
0x1e8: {  	s0 =	sadd.s32 @!p0 $0x100000, s0;
	[bflag:$0x2] =	sbarrier.arrive $0xFFFF  }
0x1e9: {  	[sflag:s0] =	ssyncadd.tile.s32 @!p0 $0x1;
	_ =	shalt  }
.Lfunc_end2:
_tile_overlayer_lowered:
.L_overlay_start_2:
0x1ea: {  	(tag) =	ssettag $0x2  }
0x1eb: {  	s0 =	rddreg [dreg:$0x0];
	s2 =	stileid.u32  }
0x1ec: {  	s1 =	rddreg [dreg:$0x1];
	p0 =	sne.s32 s2, $0x0  }
0x1ed: {  	s3 =	rddreg [dreg:$0x2];
	[bflag:$0x3] =	sbarrier.arrive $0xFFFF;
	s2 =	simm.s32 @!p0 $0x1C03  }
0x1ee: {  	[timem:s3], [sflag:s2] =	dma.local @!p0 [hbm:s0], s1  }
0x1ef: {  	s0 =	simm.s32 @!p0 $0x3  }
0x1f0: {  	_ =	swait.ge @!p0 [sflag:s0], s1  }
0x1f1: {  	s1 =	ssub.s32 @!p0 $0x0, s1;
	[sflag:s0] =	ssyncset.done @!p0 $0x0  }
0x1f2: {  	[sflag:s0] =	ssyncadd.s32 @!p0 s1  }
0x1f3: {  	[bflag:$0x3] =	sbarrier.arrive $0xFFFF  }
0x1f4: {  	_ =	shalt  }

</sc_bundles>
